<compile_context>
chip_gen: v7x
topology: tpu7x:2x2x1
jax: 0.10.2.dev20260603
libtpu: 0.0.44.dev20260713+nightly
codegen_flags: <defaults>
</compile_context>

<pallas_src>
import functools

import jax
import jax.numpy as jnp
from jax import lax
from jax.experimental import pallas as pl
from jax.experimental.pallas import tpu as pltpu
from jax.experimental.pallas import tpu_sc as plsc

L = 512
DS = 384
DP = 64
VP = 32
TI = 64
TJ2 = 32
RELPAD = 1064


NTOK = 1024
TPW = 32
NCH = DS // 16


def _seq_sc_kernel(x_hbm, tab_hbm, pos_hbm, g_hbm, b_hbm, out_hbm,
                   idx_v, rows_v, pos_v, g_v, b_v, sem):
    wid = lax.axis_index("s") * 2 + lax.axis_index("c")
    base = wid * TPW
    pltpu.sync_copy(x_hbm.at[pl.ds(base, TPW)], idx_v)
    cp = pltpu.async_copy(tab_hbm.at[idx_v], rows_v, sem)
    pltpu.sync_copy(pos_hbm.at[pl.ds(base % L, TPW)], pos_v)
    pltpu.sync_copy(g_hbm, g_v)
    pltpu.sync_copy(b_hbm, b_v)
    cp.wait()

    lanes = lax.iota(jnp.int32, 16)

    def _allsum(v):
        for kk in (8, 4, 2, 1):
            v = v + jnp.take(v, jnp.bitwise_xor(lanes, kk))
        return v

    def token(i, _):
        zero = jnp.zeros((16,), jnp.float32)

        def acc(k, carry):
            s, s2 = carry
            v = rows_v[i, pl.ds(k * 16, 16)] + pos_v[i, pl.ds(k * 16, 16)]
            rows_v[i, pl.ds(k * 16, 16)] = v
            return (s + v, s2 + v * v)

        s, s2 = lax.fori_loop(0, NCH, acc, (zero, zero))
        m = _allsum(s) * (1.0 / DS)
        var = _allsum(s2) * (1.0 / DS) - m * m
        xv = var + 1e-5
        yi = jnp.full((16,), 0x5F3759DF, jnp.int32) - (
            lax.bitcast_convert_type(xv, jnp.int32) >> 1)
        y = lax.bitcast_convert_type(yi, jnp.float32)
        for _ in range(4):
            y = y * (1.5 - 0.5 * xv * y * y)

        def norm(k, _):
            v = rows_v[i, pl.ds(k * 16, 16)]
            rows_v[i, pl.ds(k * 16, 16)] = (
                (v - m) * y * g_v[pl.ds(k * 16, 16)] + b_v[pl.ds(k * 16, 16)])
            return 0

        return lax.fori_loop(0, NCH, norm, 0)

    lax.fori_loop(0, TPW, token, 0)
    pltpu.sync_copy(rows_v, out_hbm.at[pl.ds(base, TPW)])


def _seq_call(x_flat, seq_aa_emb, abs_pos_emb, g, b):
    mesh = plsc.VectorSubcoreMesh(core_axis_name="c", subcore_axis_name="s")
    fn = functools.partial(
        pl.kernel,
        mesh=mesh,
        out_type=jax.ShapeDtypeStruct((NTOK, DS), jnp.float32),
        scratch_types=[
            pltpu.VMEM((TPW,), jnp.int32),
            pltpu.VMEM((TPW, DS), jnp.float32),
            pltpu.VMEM((TPW, DS), jnp.float32),
            pltpu.VMEM((DS,), jnp.float32),
            pltpu.VMEM((DS,), jnp.float32),
            pltpu.SemaphoreType.DMA,
        ],
    )(_seq_sc_kernel)
    return fn(x_flat, seq_aa_emb, abs_pos_emb, g, b)


def _pair_kernel(xi_ref, xj_ref, ti_ref, tj_ref, rel_a_ref,
                 g_ref, b_ref, out_ref, m2_scr, sbd_scr, rel_scr, eye_scr):
    bi = pl.program_id(0)
    bj = pl.program_id(1)
    b = pl.program_id(2)
    NR = TI * TJ2

    @pl.when((bi == 0) & (bj == 0) & (b == 0))
    def _build_static():
        r = jax.lax.broadcasted_iota(jnp.int32, (NR, 128), 0)
        s = jax.lax.broadcasted_iota(jnp.int32, (NR, 128), 1)
        m2_scr[...] = (s == (r // TJ2) - (r % TJ2) + 32
                       ).astype(jnp.float32).astype(jnp.bfloat16)
        a = jax.lax.broadcasted_iota(jnp.int32, (128, 128), 0)
        c = jax.lax.broadcasted_iota(jnp.int32, (128, 128), 1)
        sbd_scr[...] = ((a // 64 == c // 64).astype(jnp.float32)
                        * (1.0 / 64.0)).astype(jnp.bfloat16)
        e0 = jax.lax.broadcasted_iota(jnp.int32, (256, 256), 0)
        e1 = jax.lax.broadcasted_iota(jnp.int32, (256, 256), 1)
        eye_scr[...] = (e0 == e1).astype(jnp.float32).astype(jnp.bfloat16)

    @pl.when(b == 0)
    def _build_rel():
        for t in (0, 1, 2, 3):
            start = 64 * (bi - 4 * bj - t) + 480
            w_l = rel_a_ref[pl.ds(start, 128), :]
            w_r = rel_a_ref[pl.ds(start - 32, 128), :]
            waug = jnp.concatenate([w_l, w_r], axis=1)
            rel_scr[t] = jnp.dot(
                m2_scr[...], waug,
                preferred_element_type=jnp.float32).astype(jnp.bfloat16)

    xi = xi_ref[0]
    oh_i = (xi == jax.lax.broadcasted_iota(jnp.int32, (TI, VP), 1)
            ).astype(jnp.float32).astype(jnp.bfloat16)
    pi = jnp.dot(oh_i, ti_ref[...],
                 preferred_element_type=jnp.float32).astype(jnp.bfloat16)

    e_uns = []
    for t in (0, 1, 2, 3):
        xj = xj_ref[0, pl.ds(64 * t, 64)]
        xpb = jnp.concatenate(
            [jnp.broadcast_to(xj[0:TJ2], (TJ2, VP)),
             jnp.broadcast_to(xj[TJ2:2 * TJ2], (TJ2, VP))], axis=1)
        vmod = jax.lax.broadcasted_iota(jnp.int32, (TJ2, 2 * VP), 1) % VP
        oh_j = (xpb == vmod).astype(jnp.float32).astype(jnp.bfloat16)
        pj = jnp.dot(oh_j, tj_ref[...],
                     preferred_element_type=jnp.float32).astype(jnp.bfloat16)

        e3 = (rel_scr[t].reshape(TI, TJ2, 128)
              + pi[:, None, :] + pj[None, :, :])
        ebf = e3.reshape(NR, 128)
        m = jnp.dot(ebf, sbd_scr[...], preferred_element_type=jnp.float32)
        q = jnp.dot(ebf * ebf, sbd_scr[...],
                    preferred_element_type=jnp.float32)
        var = q - m * m
        scale = jax.lax.rsqrt(var + 1e-5) * g_ref[0]
        scale_bf = scale.astype(jnp.bfloat16)
        shift_bf = (b_ref[0] - m * scale).astype(jnp.bfloat16)
        out = ebf * scale_bf + shift_bf
        e_uns.append(jnp.concatenate(
            [out[:, 0:DP].reshape(TI, TJ2, DP),
             out[:, DP:128].reshape(TI, TJ2, DP)], axis=1))

    e_un2 = jnp.concatenate(e_uns, axis=1)
    out_ref[0] = jax.lax.dot_general(
        e_un2, eye_scr[...],
        dimension_numbers=(((1,), (0,)), ((), ())),
        preferred_element_type=jnp.float32)


def kernel(x, seq_aa_emb, abs_pos_emb, pair_aa_emb_i, pair_aa_emb_j,
           relpos_emb, seq_ln_g, seq_ln_b, pair_ln_g, pair_ln_b):
    B, Lx = x.shape
    xi = x.astype(jnp.int32)
    x3 = xi.reshape(B, Lx, 1)

    def pad_tab(t):
        return jnp.concatenate(
            [t, jnp.zeros((VP - t.shape[0], t.shape[1]), t.dtype)], axis=0)

    ti_tab = jnp.tile(pad_tab(pair_aa_emb_i), (1, 2)).astype(jnp.bfloat16)
    tjp = pad_tab(pair_aa_emb_j)
    z = jnp.zeros((VP, DP), tjp.dtype)
    tj_tab = jnp.concatenate(
        [jnp.concatenate([tjp, z], axis=1),
         jnp.concatenate([z, tjp], axis=1)], axis=0).astype(jnp.bfloat16)
    rel_a = jnp.concatenate(
        [jnp.zeros((1, DP), relpos_emb.dtype), relpos_emb,
         jnp.zeros((RELPAD - 1 - relpos_emb.shape[0], DP),
                   relpos_emb.dtype)], axis=0).astype(jnp.bfloat16)

    seq_repr = _seq_call(
        xi.reshape(B * Lx), seq_aa_emb, abs_pos_emb, seq_ln_g, seq_ln_b
    ).reshape(B, Lx, DS)

    g2 = jnp.tile(pair_ln_g.reshape(1, DP), (1, 2))
    b2 = jnp.tile(pair_ln_b.reshape(1, DP), (1, 2))

    Gi, Gj = Lx // TI, Lx // 256
    pair2 = pl.pallas_call(
        _pair_kernel,
        grid=(Gi, Gj, B),
        in_specs=[
            pl.BlockSpec((1, TI, 1), lambda bi, bj, b: (b, bi, 0)),
            pl.BlockSpec((1, 256, 1), lambda bi, bj, b: (b, bj, 0)),
            pl.BlockSpec((VP, 128), lambda bi, bj, b: (0, 0)),
            pl.BlockSpec((2 * VP, 128), lambda bi, bj, b: (0, 0)),
            pl.BlockSpec((RELPAD, DP), lambda bi, bj, b: (0, 0)),
            pl.BlockSpec((1, 128), lambda bi, bj, b: (0, 0)),
            pl.BlockSpec((1, 128), lambda bi, bj, b: (0, 0)),
        ],
        out_specs=pl.BlockSpec((1, TI, DP, 256),
                               lambda bi, bj, b: (b, bi, 0, bj)),
        out_shape=jax.ShapeDtypeStruct((B, Lx, DP, Lx), jnp.float32),
        scratch_shapes=[
            pltpu.VMEM((TI * TJ2, 128), jnp.bfloat16),
            pltpu.VMEM((128, 128), jnp.bfloat16),
            pltpu.VMEM((4, TI * TJ2, 128), jnp.bfloat16),
            pltpu.VMEM((256, 256), jnp.bfloat16),
        ],
    )(x3, x3, ti_tab, tj_tab, rel_a, g2, b2)

    return (seq_repr, jnp.transpose(pair2, (0, 1, 3, 2)))

# --- scband reference (transcript-rebuilt; emitter-appended) ---
"""Pipeline reference for scband-embedder-49306224558642 (READ-ONLY COPY).

The authoritative reference and input builder live on the scoring server;
editing this copy changes nothing except your own understanding.
"""

import jax, jax.numpy as jnp
import numpy as np

AA = 22
L = 512
D_SEQ = 384
D_PAIR = 64
K = 511  # max_len - 1
NUM_BUCKETS = 2 * K + 1  # 1023, add_break_bucket=False


def _layernorm(x, g, b, eps=1e-5):
    m = jnp.mean(x, axis=-1, keepdims=True)
    v = jnp.var(x, axis=-1, keepdims=True)
    return (x - m) / jnp.sqrt(v + eps) * g + b


def setup_inputs(seed: int = 0) -> dict:
    key = jax.random.key(seed)
    ks = jax.random.split(key, 8)
    x = jax.random.randint(ks[0], (2, L), 0, AA)
    seq_aa_emb = jax.random.normal(ks[1], (AA, D_SEQ), dtype=jnp.float32) * 0.02
    seq_aa_emb = seq_aa_emb.at[0].set(0.0)  # padding_idx=0
    abs_pos_emb = jax.random.normal(ks[2], (L, D_SEQ), dtype=jnp.float32) * 0.02
    pair_aa_emb_i = jax.random.normal(ks[3], (AA, D_PAIR), dtype=jnp.float32) * 0.02
    pair_aa_emb_i = pair_aa_emb_i.at[0].set(0.0)  # padding_idx=0
    pair_aa_emb_j = jax.random.normal(ks[4], (AA, D_PAIR), dtype=jnp.float32) * 0.02
    pair_aa_emb_j = pair_aa_emb_j.at[0].set(0.0)  # padding_idx=0
    relpos_emb = jax.random.normal(ks[5], (NUM_BUCKETS, D_PAIR), dtype=jnp.float32) * 0.02
    seq_ln_g = jnp.ones((D_SEQ,), dtype=jnp.float32)
    seq_ln_b = jnp.zeros((D_SEQ,), dtype=jnp.float32)
    pair_ln_g = jnp.ones((D_PAIR,), dtype=jnp.float32)
    pair_ln_b = jnp.zeros((D_PAIR,), dtype=jnp.float32)
    return {
        "x": x,
        "seq_aa_emb": seq_aa_emb,
        "abs_pos_emb": abs_pos_emb,
        "pair_aa_emb_i": pair_aa_emb_i,
        "pair_aa_emb_j": pair_aa_emb_j,
        "relpos_emb": relpos_emb,
        "seq_ln_g": seq_ln_g,
        "seq_ln_b": seq_ln_b,
        "pair_ln_g": pair_ln_g,
        "pair_ln_b": pair_ln_b,
    }


def reference(x, seq_aa_emb, abs_pos_emb, pair_aa_emb_i, pair_aa_emb_j,
              relpos_emb, seq_ln_g, seq_ln_b, pair_ln_g, pair_ln_b):
    B, Lx = x.shape
    pos = jnp.arange(Lx)
    # sequence track: aa embedding gather + absolute position embedding gather
    seq_repr = jnp.take(seq_aa_emb, x, axis=0)  # [B, L, d_seq]
    seq_repr = seq_repr + jnp.take(abs_pos_emb, pos, axis=0)[None, :, :]
    # dropout p=0.0 -> identity
    seq_repr = _layernorm(seq_repr, seq_ln_g, seq_ln_b)
    # pair track: outer sum of i/j embeddings
    pi = jnp.take(pair_aa_emb_i, x, axis=0)  # [B, L, d_pair]
    pj = jnp.take(pair_aa_emb_j, x, axis=0)  # [B, L, d_pair]
    pair_repr = pi[:, :, None, :] + pj[:, None, :, :]  # [B, L, L, d_pair]
    # relative position buckets
    d = pos[:, None] - pos[None, :]  # [L, L]
    d = jnp.clip(d, -K, K)
    bucket_ids = d + K  # [L, L] in [0, 2K]
    relpos = jnp.take(relpos_emb, bucket_ids, axis=0)  # [L, L, d_pair]
    pair_repr = pair_repr + relpos[None, :, :, :]
    pair_repr = _layernorm(pair_repr, pair_ln_g, pair_ln_b)
    return (seq_repr, pair_repr)

if __name__ == "__main__":
    import jax
    _d = setup_inputs()
    print(jax.jit(kernel)(*tuple(_d.values())))

</pallas_src>

<mosaic_0001>
#map = affine_map<(d0, d1) -> (0)>
#map1 = affine_map<(d0, d1) -> (0, 0)>
module attributes {stable_mosaic.version = 14 : i64} {
  func.func @_seq_sc_kernel(%arg0: i32, %arg1: i32, %arg2: memref<1024xi32, #tpu.memory_space<hbm>>, %arg3: memref<22x384xf32, #tpu.memory_space<hbm>>, %arg4: memref<512x384xf32, #tpu.memory_space<hbm>>, %arg5: memref<384xf32, #tpu.memory_space<hbm>>, %arg6: memref<384xf32, #tpu.memory_space<hbm>>, %arg7: memref<1024x384xf32, #tpu.memory_space<hbm>>, %arg8: memref<32xi32, #tpu.memory_space<vmem>>, %arg9: memref<32x384xf32, #tpu.memory_space<vmem>>, %arg10: memref<32x384xf32, #tpu.memory_space<vmem>>, %arg11: memref<384xf32, #tpu.memory_space<vmem>>, %arg12: memref<384xf32, #tpu.memory_space<vmem>>, %arg13: memref<!tpu.dma_semaphore, #tpu.memory_space<semaphore_mem>>) attributes {dimension_semantics = [#tpu.dimension_semantics<core_parallel>, #tpu.dimension_semantics<subcore_parallel>], iteration_bounds = array<i64: 2, 16>, scalar_prefetch = 0 : i64, scratch_operands = 6 : i64, tpu.core_type = #tpu.core_type<sc_vector_subcore>, window_params = [{transform_indices = #map}, {transform_indices = #map1}, {transform_indices = #map1}, {transform_indices = #map}, {transform_indices = #map}, {transform_indices = #map1}]} {
    %mul3A = arith.constant 2 : i32
    %mul3A_0 = arith.muli %arg1, %mul3A : i32
    %add3A = arith.addi %mul3A_0, %arg0 : i32
    %mul3A_1 = arith.constant 32 : i32
    %mul3A_2 = arith.muli %add3A, %mul3A_1 : i32
    "tpu.region"() ({
      %run_scoped3A = tpu.sem_alloc : memref<!tpu.dma_semaphore, #tpu.memory_space<semaphore_mem>>
      %dma_start3A_22 = tpu.memref_slice %arg2[%mul3A_2] : memref<1024xi32, #tpu.memory_space<hbm>> -> memref<32xi32, #tpu.memory_space<hbm>>
      %dma_start3A_23 = tpu.memref_slice %arg2[%mul3A_2] : memref<1024xi32, #tpu.memory_space<hbm>> -> memref<32xi32, #tpu.memory_space<hbm>>
      tpu.enqueue_dma source(%dma_start3A_23 : memref<32xi32, #tpu.memory_space<hbm>>) target(%arg8 : memref<32xi32, #tpu.memory_space<vmem>>) target_semaphore(%run_scoped3A : memref<!tpu.dma_semaphore, #tpu.memory_space<semaphore_mem>>)
      %dma_wait3A_24 = tpu.memref_slice %arg2[%mul3A_2] : memref<1024xi32, #tpu.memory_space<hbm>> -> memref<32xi32, #tpu.memory_space<hbm>>
      %dma_wait3A_25 = tpu.memref_slice %arg2[%mul3A_2] : memref<1024xi32, #tpu.memory_space<hbm>> -> memref<32xi32, #tpu.memory_space<hbm>>
      tpu.wait_dma2 semaphore(%run_scoped3A : memref<!tpu.dma_semaphore, #tpu.memory_space<semaphore_mem>>) src(%dma_wait3A_25 : memref<32xi32, #tpu.memory_space<hbm>>) dst(%arg8 : memref<32xi32, #tpu.memory_space<vmem>>)
      tpu.yield
    }) : () -> ()
    %dma_start3A = arith.constant 0 : i32
    %dma_start3A_3 = arith.constant 0 : i32
    %dma_start3A_4 = tpu.memref_slice %arg3[%dma_start3A, %dma_start3A_3] : memref<22x384xf32, #tpu.memory_space<hbm>> -> memref<22x384xf32, #tpu.memory_space<hbm>>
    tpu.enqueue_indirect_dma source(%dma_start3A_4 : memref<22x384xf32, #tpu.memory_space<hbm>>) target(%arg9 : memref<32x384xf32, #tpu.memory_space<vmem>>) offsets(%arg8 : memref<32xi32, #tpu.memory_space<vmem>>) semaphore(%arg13 : memref<!tpu.dma_semaphore, #tpu.memory_space<semaphore_mem>>)
    %jit3A = arith.constant 512 : i32
    %eq3A = arith.constant 0 : i32
    %eq3A_5 = arith.cmpi eq, %jit3A, %eq3A : i32
    %jit3A_6 = arith.constant 1 : i32
    %select_n3A = arith.select %eq3A_5, %jit3A_6, %jit3A : i32
    %rem3A = arith.remsi %mul3A_2, %select_n3A : i32
    %ne3A = arith.constant 0 : i32
    %ne3A_7 = arith.cmpi ne, %rem3A, %ne3A : i32
    %lt3A = arith.constant 0 : i32
    %lt3A_8 = arith.cmpi slt, %rem3A, %lt3A : i32
    %lt3A_9 = arith.constant 0 : i32
    %lt3A_10 = arith.cmpi slt, %select_n3A, %lt3A_9 : i32
    %ne3A_11 = arith.xori %lt3A_8, %lt3A_10 : i1
    %and3A = arith.andi %ne3A_11, %ne3A_7 : i1
    %add3A_12 = arith.addi %rem3A, %select_n3A : i32
    %select_n3A_13 = arith.select %and3A, %add3A_12, %rem3A : i32
    "tpu.region"() ({
      %run_scoped3A = tpu.sem_alloc : memref<!tpu.dma_semaphore, #tpu.memory_space<semaphore_mem>>
      %dma_start3A_22 = arith.constant 0 : i32
      %dma_start3A_23 = tpu.memref_slice %arg4[%select_n3A_13, %dma_start3A_22] : memref<512x384xf32, #tpu.memory_space<hbm>> -> memref<32x384xf32, #tpu.memory_space<hbm>>
      %dma_start3A_24 = arith.constant 0 : i32
      %dma_start3A_25 = tpu.memref_slice %arg4[%select_n3A_13, %dma_start3A_24] : memref<512x384xf32, #tpu.memory_space<hbm>> -> memref<32x384xf32, #tpu.memory_space<hbm>>
      tpu.enqueue_dma source(%dma_start3A_25 : memref<32x384xf32, #tpu.memory_space<hbm>>) target(%arg10 : memref<32x384xf32, #tpu.memory_space<vmem>>) target_semaphore(%run_scoped3A : memref<!tpu.dma_semaphore, #tpu.memory_space<semaphore_mem>>)
      %dma_wait3A_26 = arith.constant 0 : i32
      %dma_wait3A_27 = tpu.memref_slice %arg4[%select_n3A_13, %dma_wait3A_26] : memref<512x384xf32, #tpu.memory_space<hbm>> -> memref<32x384xf32, #tpu.memory_space<hbm>>
      %dma_wait3A_28 = arith.constant 0 : i32
      %dma_wait3A_29 = tpu.memref_slice %arg4[%select_n3A_13, %dma_wait3A_28] : memref<512x384xf32, #tpu.memory_space<hbm>> -> memref<32x384xf32, #tpu.memory_space<hbm>>
      tpu.wait_dma2 semaphore(%run_scoped3A : memref<!tpu.dma_semaphore, #tpu.memory_space<semaphore_mem>>) src(%dma_wait3A_29 : memref<32x384xf32, #tpu.memory_space<hbm>>) dst(%arg10 : memref<32x384xf32, #tpu.memory_space<vmem>>)
      tpu.yield
    }) : () -> ()
    "tpu.region"() ({
      %run_scoped3A = tpu.sem_alloc : memref<!tpu.dma_semaphore, #tpu.memory_space<semaphore_mem>>
      tpu.enqueue_dma source(%arg5 : memref<384xf32, #tpu.memory_space<hbm>>) target(%arg11 : memref<384xf32, #tpu.memory_space<vmem>>) target_semaphore(%run_scoped3A : memref<!tpu.dma_semaphore, #tpu.memory_space<semaphore_mem>>)
      tpu.wait_dma2 semaphore(%run_scoped3A : memref<!tpu.dma_semaphore, #tpu.memory_space<semaphore_mem>>) src(%arg5 : memref<384xf32, #tpu.memory_space<hbm>>) dst(%arg11 : memref<384xf32, #tpu.memory_space<vmem>>)
      tpu.yield
    }) : () -> ()
    "tpu.region"() ({
      %run_scoped3A = tpu.sem_alloc : memref<!tpu.dma_semaphore, #tpu.memory_space<semaphore_mem>>
      tpu.enqueue_dma source(%arg6 : memref<384xf32, #tpu.memory_space<hbm>>) target(%arg12 : memref<384xf32, #tpu.memory_space<vmem>>) target_semaphore(%run_scoped3A : memref<!tpu.dma_semaphore, #tpu.memory_space<semaphore_mem>>)
      tpu.wait_dma2 semaphore(%run_scoped3A : memref<!tpu.dma_semaphore, #tpu.memory_space<semaphore_mem>>) src(%arg6 : memref<384xf32, #tpu.memory_space<hbm>>) dst(%arg12 : memref<384xf32, #tpu.memory_space<vmem>>)
      tpu.yield
    }) : () -> ()
    %dma_wait3A = arith.constant 0 : i32
    %dma_wait3A_14 = arith.constant 0 : i32
    %dma_wait3A_15 = tpu.memref_slice %arg3[%dma_wait3A, %dma_wait3A_14] : memref<22x384xf32, #tpu.memory_space<hbm>> -> memref<22x384xf32, #tpu.memory_space<hbm>>
    tpu.wait_indirect_dma semaphore(%arg13 : memref<!tpu.dma_semaphore, #tpu.memory_space<semaphore_mem>>) src(%dma_wait3A_15 : memref<22x384xf32, #tpu.memory_space<hbm>>) dst(%arg9 : memref<32x384xf32, #tpu.memory_space<vmem>>)
    %iota3A = tpu.iota {dimensions = array<i32: 0>} : vector<16xi32>
    %scan3A = arith.constant 0 : i32
    %scan3A_16 = arith.constant 0 : i32
    %scan3A_17 = arith.constant 32 : i32
    %scan3A_18 = arith.addi %scan3A_16, %scan3A_17 : i32
    %scan3A_19 = arith.constant 1 : i32
    %scan3A_20 = scf.for %scan3A_22 = %scan3A_16 to %scan3A_18 step %scan3A_19 iter_args(%scan3A_23 = %scan3A) -> (i32)  : i32 {
      %broadcast_in_dim3A = arith.constant 0.000000e+00 : f32
      %broadcast_in_dim3A_24 = vector.broadcast %broadcast_in_dim3A : f32 to vector<16xf32>
      %scan3A_25 = arith.constant 0 : i32
      %scan3A_26 = arith.constant 24 : i32
      %scan3A_27 = arith.addi %scan3A_25, %scan3A_26 : i32
      %scan3A_28 = arith.constant 1 : i32
      %scan3A_29:2 = scf.for %scan3A_200 = %scan3A_25 to %scan3A_27 step %scan3A_28 iter_args(%scan3A_201 = %broadcast_in_dim3A_24, %scan3A_202 = %broadcast_in_dim3A_24) -> (vector<16xf32>, vector<16xf32>)  : i32 {
        %mul3A_203 = arith.constant 16 : i32
        %mul3A_204 = arith.muli %scan3A_200, %mul3A_203 : i32
        %get3A = arith.index_cast %scan3A_22 : i32 to index
        %get3A_205 = arith.index_cast %mul3A_204 : i32 to index
        %get3A_206 = tpu.vector_load %arg9[%get3A, %get3A_205] {strides = array<i32>} : memref<32x384xf32, #tpu.memory_space<vmem>>, vector<1x16xf32>,
        %get3A_207 = vector.shape_cast %get3A_206 : vector<1x16xf32> to vector<16xf32>
        %mul3A_208 = arith.constant 16 : i32
        %mul3A_209 = arith.muli %scan3A_200, %mul3A_208 : i32
        %get3A_210 = arith.index_cast %scan3A_22 : i32 to index
        %get3A_211 = arith.index_cast %mul3A_209 : i32 to index
        %get3A_212 = tpu.vector_load %arg10[%get3A_210, %get3A_211] {strides = array<i32>} : memref<32x384xf32, #tpu.memory_space<vmem>>, vector<1x16xf32>,
        %get3A_213 = vector.shape_cast %get3A_212 : vector<1x16xf32> to vector<16xf32>
        %add3A_214 = arith.addf %get3A_207, %get3A_213 : vector<16xf32>
        %mul3A_215 = arith.constant 16 : i32
        %mul3A_216 = arith.muli %scan3A_200, %mul3A_215 : i32
        %swap3A = arith.index_cast %scan3A_22 : i32 to index
        %swap3A_217 = arith.index_cast %mul3A_216 : i32 to index
        %swap3A_218 = tpu.vector_load %arg9[%swap3A, %swap3A_217] {strides = array<i32>} : memref<32x384xf32, #tpu.memory_space<vmem>>, vector<1x16xf32>,
        %swap3A_219 = vector.shape_cast %swap3A_218 : vector<1x16xf32> to vector<16xf32>
        %swap3A_220 = vector.shape_cast %add3A_214 : vector<16xf32> to vector<1x16xf32>
        tpu.vector_store %arg9[%swap3A, %swap3A_217], %swap3A_220 {strides = array<i32>} : memref<32x384xf32, #tpu.memory_space<vmem>>, vector<1x16xf32>,
        %add3A_221 = arith.addf %scan3A_201, %add3A_214 : vector<16xf32>
        %mul3A_222 = arith.mulf %add3A_214, %add3A_214 : vector<16xf32>
        %add3A_223 = arith.addf %scan3A_202, %mul3A_222 : vector<16xf32>
        scf.yield %add3A_221, %add3A_223 : vector<16xf32>, vector<16xf32>
      }
      %scan3A_30 = arith.constant 24 : i32
      %xor3A = arith.constant 8 : i32
      %xor3A_31 = vector.broadcast %xor3A : i32 to vector<16xi32>
      %xor3A_32 = arith.xori %iota3A, %xor3A_31 : vector<16xi32>
      %lt3A_33 = arith.constant 0 : i32
      %lt3A_34 = vector.broadcast %lt3A_33 : i32 to vector<16xi32>
      %lt3A_35 = arith.cmpi slt, %xor3A_32, %lt3A_34 : vector<16xi32>
      %add3A_36 = arith.constant 16 : i32
      %add3A_37 = vector.broadcast %add3A_36 : i32 to vector<16xi32>
      %add3A_38 = arith.addi %xor3A_32, %add3A_37 : vector<16xi32>
      %select_n3A_39 = arith.select %lt3A_35, %add3A_38, %xor3A_32 : vector<16xi1>, vector<16xi32>
      %broadcast_in_dim3A_40 = vector.shape_cast %select_n3A_39 : vector<16xi32> to vector<16x1xi32>
      %gather3A = vector.shape_cast %broadcast_in_dim3A_40 : vector<16x1xi32> to vector<16xi32>
      %gather3A_41 = tpu.dynamic_gather %scan3A_29#0[%gather3A] in [0] : vector<16xf32>, vector<16xi32> -> vector<16xf32>
      %add3A_42 = arith.addf %scan3A_29#0, %gather3A_41 : vector<16xf32>
      %xor3A_43 = arith.constant 4 : i32
      %xor3A_44 = vector.broadcast %xor3A_43 : i32 to vector<16xi32>
      %xor3A_45 = arith.xori %iota3A, %xor3A_44 : vector<16xi32>
      %lt3A_46 = arith.constant 0 : i32
      %lt3A_47 = vector.broadcast %lt3A_46 : i32 to vector<16xi32>
      %lt3A_48 = arith.cmpi slt, %xor3A_45, %lt3A_47 : vector<16xi32>
      %add3A_49 = arith.constant 16 : i32
      %add3A_50 = vector.broadcast %add3A_49 : i32 to vector<16xi32>
      %add3A_51 = arith.addi %xor3A_45, %add3A_50 : vector<16xi32>
      %select_n3A_52 = arith.select %lt3A_48, %add3A_51, %xor3A_45 : vector<16xi1>, vector<16xi32>
      %broadcast_in_dim3A_53 = vector.shape_cast %select_n3A_52 : vector<16xi32> to vector<16x1xi32>
      %gather3A_54 = vector.shape_cast %broadcast_in_dim3A_53 : vector<16x1xi32> to vector<16xi32>
      %gather3A_55 = tpu.dynamic_gather %add3A_42[%gather3A_54] in [0] : vector<16xf32>, vector<16xi32> -> vector<16xf32>
      %add3A_56 = arith.addf %add3A_42, %gather3A_55 : vector<16xf32>
      %xor3A_57 = arith.constant 2 : i32
      %xor3A_58 = vector.broadcast %xor3A_57 : i32 to vector<16xi32>
      %xor3A_59 = arith.xori %iota3A, %xor3A_58 : vector<16xi32>
      %lt3A_60 = arith.constant 0 : i32
      %lt3A_61 = vector.broadcast %lt3A_60 : i32 to vector<16xi32>
      %lt3A_62 = arith.cmpi slt, %xor3A_59, %lt3A_61 : vector<16xi32>
      %add3A_63 = arith.constant 16 : i32
      %add3A_64 = vector.broadcast %add3A_63 : i32 to vector<16xi32>
      %add3A_65 = arith.addi %xor3A_59, %add3A_64 : vector<16xi32>
      %select_n3A_66 = arith.select %lt3A_62, %add3A_65, %xor3A_59 : vector<16xi1>, vector<16xi32>
      %broadcast_in_dim3A_67 = vector.shape_cast %select_n3A_66 : vector<16xi32> to vector<16x1xi32>
      %gather3A_68 = vector.shape_cast %broadcast_in_dim3A_67 : vector<16x1xi32> to vector<16xi32>
      %gather3A_69 = tpu.dynamic_gather %add3A_56[%gather3A_68] in [0] : vector<16xf32>, vector<16xi32> -> vector<16xf32>
      %add3A_70 = arith.addf %add3A_56, %gather3A_69 : vector<16xf32>
      %xor3A_71 = arith.constant 1 : i32
      %xor3A_72 = vector.broadcast %xor3A_71 : i32 to vector<16xi32>
      %xor3A_73 = arith.xori %iota3A, %xor3A_72 : vector<16xi32>
      %lt3A_74 = arith.constant 0 : i32
      %lt3A_75 = vector.broadcast %lt3A_74 : i32 to vector<16xi32>
      %lt3A_76 = arith.cmpi slt, %xor3A_73, %lt3A_75 : vector<16xi32>
      %add3A_77 = arith.constant 16 : i32
      %add3A_78 = vector.broadcast %add3A_77 : i32 to vector<16xi32>
      %add3A_79 = arith.addi %xor3A_73, %add3A_78 : vector<16xi32>
      %select_n3A_80 = arith.select %lt3A_76, %add3A_79, %xor3A_73 : vector<16xi1>, vector<16xi32>
      %broadcast_in_dim3A_81 = vector.shape_cast %select_n3A_80 : vector<16xi32> to vector<16x1xi32>
      %gather3A_82 = vector.shape_cast %broadcast_in_dim3A_81 : vector<16x1xi32> to vector<16xi32>
      %gather3A_83 = tpu.dynamic_gather %add3A_70[%gather3A_82] in [0] : vector<16xf32>, vector<16xi32> -> vector<16xf32>
      %add3A_84 = arith.addf %add3A_70, %gather3A_83 : vector<16xf32>
      %mul3A_85 = arith.constant 0.00260416674 : f32
      %mul3A_86 = vector.broadcast %mul3A_85 : f32 to vector<16xf32>
      %mul3A_87 = arith.mulf %add3A_84, %mul3A_86 : vector<16xf32>
      %xor3A_88 = arith.constant 8 : i32
      %xor3A_89 = vector.broadcast %xor3A_88 : i32 to vector<16xi32>
      %xor3A_90 = arith.xori %iota3A, %xor3A_89 : vector<16xi32>
      %lt3A_91 = arith.constant 0 : i32
      %lt3A_92 = vector.broadcast %lt3A_91 : i32 to vector<16xi32>
      %lt3A_93 = arith.cmpi slt, %xor3A_90, %lt3A_92 : vector<16xi32>
      %add3A_94 = arith.constant 16 : i32
      %add3A_95 = vector.broadcast %add3A_94 : i32 to vector<16xi32>
      %add3A_96 = arith.addi %xor3A_90, %add3A_95 : vector<16xi32>
      %select_n3A_97 = arith.select %lt3A_93, %add3A_96, %xor3A_90 : vector<16xi1>, vector<16xi32>
      %broadcast_in_dim3A_98 = vector.shape_cast %select_n3A_97 : vector<16xi32> to vector<16x1xi32>
      %gather3A_99 = vector.shape_cast %broadcast_in_dim3A_98 : vector<16x1xi32> to vector<16xi32>
      %gather3A_100 = tpu.dynamic_gather %scan3A_29#1[%gather3A_99] in [0] : vector<16xf32>, vector<16xi32> -> vector<16xf32>
      %add3A_101 = arith.addf %scan3A_29#1, %gather3A_100 : vector<16xf32>
      %xor3A_102 = arith.constant 4 : i32
      %xor3A_103 = vector.broadcast %xor3A_102 : i32 to vector<16xi32>
      %xor3A_104 = arith.xori %iota3A, %xor3A_103 : vector<16xi32>
      %lt3A_105 = arith.constant 0 : i32
      %lt3A_106 = vector.broadcast %lt3A_105 : i32 to vector<16xi32>
      %lt3A_107 = arith.cmpi slt, %xor3A_104, %lt3A_106 : vector<16xi32>
      %add3A_108 = arith.constant 16 : i32
      %add3A_109 = vector.broadcast %add3A_108 : i32 to vector<16xi32>
      %add3A_110 = arith.addi %xor3A_104, %add3A_109 : vector<16xi32>
      %select_n3A_111 = arith.select %lt3A_107, %add3A_110, %xor3A_104 : vector<16xi1>, vector<16xi32>
      %broadcast_in_dim3A_112 = vector.shape_cast %select_n3A_111 : vector<16xi32> to vector<16x1xi32>
      %gather3A_113 = vector.shape_cast %broadcast_in_dim3A_112 : vector<16x1xi32> to vector<16xi32>
      %gather3A_114 = tpu.dynamic_gather %add3A_101[%gather3A_113] in [0] : vector<16xf32>, vector<16xi32> -> vector<16xf32>
      %add3A_115 = arith.addf %add3A_101, %gather3A_114 : vector<16xf32>
      %xor3A_116 = arith.constant 2 : i32
      %xor3A_117 = vector.broadcast %xor3A_116 : i32 to vector<16xi32>
      %xor3A_118 = arith.xori %iota3A, %xor3A_117 : vector<16xi32>
      %lt3A_119 = arith.constant 0 : i32
      %lt3A_120 = vector.broadcast %lt3A_119 : i32 to vector<16xi32>
      %lt3A_121 = arith.cmpi slt, %xor3A_118, %lt3A_120 : vector<16xi32>
      %add3A_122 = arith.constant 16 : i32
      %add3A_123 = vector.broadcast %add3A_122 : i32 to vector<16xi32>
      %add3A_124 = arith.addi %xor3A_118, %add3A_123 : vector<16xi32>
      %select_n3A_125 = arith.select %lt3A_121, %add3A_124, %xor3A_118 : vector<16xi1>, vector<16xi32>
      %broadcast_in_dim3A_126 = vector.shape_cast %select_n3A_125 : vector<16xi32> to vector<16x1xi32>
      %gather3A_127 = vector.shape_cast %broadcast_in_dim3A_126 : vector<16x1xi32> to vector<16xi32>
      %gather3A_128 = tpu.dynamic_gather %add3A_115[%gather3A_127] in [0] : vector<16xf32>, vector<16xi32> -> vector<16xf32>
      %add3A_129 = arith.addf %add3A_115, %gather3A_128 : vector<16xf32>
      %xor3A_130 = arith.constant 1 : i32
      %xor3A_131 = vector.broadcast %xor3A_130 : i32 to vector<16xi32>
      %xor3A_132 = arith.xori %iota3A, %xor3A_131 : vector<16xi32>
      %lt3A_133 = arith.constant 0 : i32
      %lt3A_134 = vector.broadcast %lt3A_133 : i32 to vector<16xi32>
      %lt3A_135 = arith.cmpi slt, %xor3A_132, %lt3A_134 : vector<16xi32>
      %add3A_136 = arith.constant 16 : i32
      %add3A_137 = vector.broadcast %add3A_136 : i32 to vector<16xi32>
      %add3A_138 = arith.addi %xor3A_132, %add3A_137 : vector<16xi32>
      %select_n3A_139 = arith.select %lt3A_135, %add3A_138, %xor3A_132 : vector<16xi1>, vector<16xi32>
      %broadcast_in_dim3A_140 = vector.shape_cast %select_n3A_139 : vector<16xi32> to vector<16x1xi32>
      %gather3A_141 = vector.shape_cast %broadcast_in_dim3A_140 : vector<16x1xi32> to vector<16xi32>
      %gather3A_142 = tpu.dynamic_gather %add3A_129[%gather3A_141] in [0] : vector<16xf32>, vector<16xi32> -> vector<16xf32>
      %add3A_143 = arith.addf %add3A_129, %gather3A_142 : vector<16xf32>
      %mul3A_144 = arith.constant 0.00260416674 : f32
      %mul3A_145 = vector.broadcast %mul3A_144 : f32 to vector<16xf32>
      %mul3A_146 = arith.mulf %add3A_143, %mul3A_145 : vector<16xf32>
      %mul3A_147 = arith.mulf %mul3A_87, %mul3A_87 : vector<16xf32>
      %sub3A = arith.subf %mul3A_146, %mul3A_147 : vector<16xf32>
      %add3A_148 = arith.constant 9.99999974E-6 : f32
      %add3A_149 = vector.broadcast %add3A_148 : f32 to vector<16xf32>
      %add3A_150 = arith.addf %sub3A, %add3A_149 : vector<16xf32>
      %broadcast_in_dim3A_151 = arith.constant 1597463007 : i32
      %broadcast_in_dim3A_152 = vector.broadcast %broadcast_in_dim3A_151 : i32 to vector<16xi32>
      %bitcast_convert_type3A = tpu.bitcast %add3A_150 : vector<16xf32> -> vector<16xi32>
      %shift_right_arithmetic3A = arith.constant 1 : i32
      %shift_right_arithmetic3A_153 = vector.broadcast %shift_right_arithmetic3A : i32 to vector<16xi32>
      %shift_right_arithmetic3A_154 = arith.shrsi %bitcast_convert_type3A, %shift_right_arithmetic3A_153 : vector<16xi32>
      %sub3A_155 = arith.subi %broadcast_in_dim3A_152, %shift_right_arithmetic3A_154 : vector<16xi32>
      %bitcast_convert_type3A_156 = tpu.bitcast %sub3A_155 : vector<16xi32> -> vector<16xf32>
      %mul3A_157 = arith.constant 5.000000e-01 : f32
      %mul3A_158 = vector.broadcast %mul3A_157 : f32 to vector<16xf32>
      %mul3A_159 = arith.mulf %mul3A_158, %add3A_150 : vector<16xf32>
      %mul3A_160 = arith.mulf %mul3A_159, %bitcast_convert_type3A_156 : vector<16xf32>
      %mul3A_161 = arith.mulf %mul3A_160, %bitcast_convert_type3A_156 : vector<16xf32>
      %sub3A_162 = arith.constant 1.500000e+00 : f32
      %sub3A_163 = vector.broadcast %sub3A_162 : f32 to vector<16xf32>
      %sub3A_164 = arith.subf %sub3A_163, %mul3A_161 : vector<16xf32>
      %mul3A_165 = arith.mulf %bitcast_convert_type3A_156, %sub3A_164 : vector<16xf32>
      %mul3A_166 = arith.constant 5.000000e-01 : f32
      %mul3A_167 = vector.broadcast %mul3A_166 : f32 to vector<16xf32>
      %mul3A_168 = arith.mulf %mul3A_167, %add3A_150 : vector<16xf32>
      %mul3A_169 = arith.mulf %mul3A_168, %mul3A_165 : vector<16xf32>
      %mul3A_170 = arith.mulf %mul3A_169, %mul3A_165 : vector<16xf32>
      %sub3A_171 = arith.constant 1.500000e+00 : f32
      %sub3A_172 = vector.broadcast %sub3A_171 : f32 to vector<16xf32>
      %sub3A_173 = arith.subf %sub3A_172, %mul3A_170 : vector<16xf32>
      %mul3A_174 = arith.mulf %mul3A_165, %sub3A_173 : vector<16xf32>
      %mul3A_175 = arith.constant 5.000000e-01 : f32
      %mul3A_176 = vector.broadcast %mul3A_175 : f32 to vector<16xf32>
      %mul3A_177 = arith.mulf %mul3A_176, %add3A_150 : vector<16xf32>
      %mul3A_178 = arith.mulf %mul3A_177, %mul3A_174 : vector<16xf32>
      %mul3A_179 = arith.mulf %mul3A_178, %mul3A_174 : vector<16xf32>
      %sub3A_180 = arith.constant 1.500000e+00 : f32
      %sub3A_181 = vector.broadcast %sub3A_180 : f32 to vector<16xf32>
      %sub3A_182 = arith.subf %sub3A_181, %mul3A_179 : vector<16xf32>
      %mul3A_183 = arith.mulf %mul3A_174, %sub3A_182 : vector<16xf32>
      %mul3A_184 = arith.constant 5.000000e-01 : f32
      %mul3A_185 = vector.broadcast %mul3A_184 : f32 to vector<16xf32>
      %mul3A_186 = arith.mulf %mul3A_185, %add3A_150 : vector<16xf32>
      %mul3A_187 = arith.mulf %mul3A_186, %mul3A_183 : vector<16xf32>
      %mul3A_188 = arith.mulf %mul3A_187, %mul3A_183 : vector<16xf32>
      %sub3A_189 = arith.constant 1.500000e+00 : f32
      %sub3A_190 = vector.broadcast %sub3A_189 : f32 to vector<16xf32>
      %sub3A_191 = arith.subf %sub3A_190, %mul3A_188 : vector<16xf32>
      %mul3A_192 = arith.mulf %mul3A_183, %sub3A_191 : vector<16xf32>
      %scan3A_193 = arith.constant 0 : i32
      %scan3A_194 = arith.constant 0 : i32
      %scan3A_195 = arith.constant 24 : i32
      %scan3A_196 = arith.addi %scan3A_194, %scan3A_195 : i32
      %scan3A_197 = arith.constant 1 : i32
      %scan3A_198 = scf.for %scan3A_200 = %scan3A_194 to %scan3A_196 step %scan3A_197 iter_args(%scan3A_201 = %scan3A_193) -> (i32)  : i32 {
        %mul3A_202 = arith.constant 16 : i32
        %mul3A_203 = arith.muli %scan3A_200, %mul3A_202 : i32
        %get3A = arith.index_cast %scan3A_22 : i32 to index
        %get3A_204 = arith.index_cast %mul3A_203 : i32 to index
        %get3A_205 = tpu.vector_load %arg9[%get3A, %get3A_204] {strides = array<i32>} : memref<32x384xf32, #tpu.memory_space<vmem>>, vector<1x16xf32>,
        %get3A_206 = vector.shape_cast %get3A_205 : vector<1x16xf32> to vector<16xf32>
        %sub3A_207 = arith.subf %get3A_206, %mul3A_87 : vector<16xf32>
        %mul3A_208 = arith.mulf %sub3A_207, %mul3A_192 : vector<16xf32>
        %mul3A_209 = arith.constant 16 : i32
        %mul3A_210 = arith.muli %scan3A_200, %mul3A_209 : i32
        %get3A_211 = arith.index_cast %mul3A_210 : i32 to index
        %get3A_212 = tpu.vector_load %arg11[%get3A_211] {strides = array<i32>} : memref<384xf32, #tpu.memory_space<vmem>>, vector<16xf32>,
        %get3A_213 = vector.shape_cast %get3A_212 : vector<16xf32> to vector<16xf32>
        %mul3A_214 = arith.mulf %mul3A_208, %get3A_213 : vector<16xf32>
        %mul3A_215 = arith.constant 16 : i32
        %mul3A_216 = arith.muli %scan3A_200, %mul3A_215 : i32
        %get3A_217 = arith.index_cast %mul3A_216 : i32 to index
        %get3A_218 = tpu.vector_load %arg12[%get3A_217] {strides = array<i32>} : memref<384xf32, #tpu.memory_space<vmem>>, vector<16xf32>,
        %get3A_219 = vector.shape_cast %get3A_218 : vector<16xf32> to vector<16xf32>
        %add3A_220 = arith.addf %mul3A_214, %get3A_219 : vector<16xf32>
        %mul3A_221 = arith.constant 16 : i32
        %mul3A_222 = arith.muli %scan3A_200, %mul3A_221 : i32
        %swap3A = arith.index_cast %scan3A_22 : i32 to index
        %swap3A_223 = arith.index_cast %mul3A_222 : i32 to index
        %swap3A_224 = tpu.vector_load %arg9[%swap3A, %swap3A_223] {strides = array<i32>} : memref<32x384xf32, #tpu.memory_space<vmem>>, vector<1x16xf32>,
        %swap3A_225 = vector.shape_cast %swap3A_224 : vector<1x16xf32> to vector<16xf32>
        %swap3A_226 = vector.shape_cast %add3A_220 : vector<16xf32> to vector<1x16xf32>
        tpu.vector_store %arg9[%swap3A, %swap3A_223], %swap3A_226 {strides = array<i32>} : memref<32x384xf32, #tpu.memory_space<vmem>>, vector<1x16xf32>,
        %scan3A_227 = arith.constant 0 : i32
        scf.yield %scan3A_227 : i32
      }
      %scan3A_199 = arith.constant 24 : i32
      scf.yield %scan3A_198 : i32
    }
    %scan3A_21 = arith.constant 32 : i32
    "tpu.region"() ({
      %run_scoped3A = tpu.sem_alloc : memref<!tpu.dma_semaphore, #tpu.memory_space<semaphore_mem>>
      %dma_start3A_22 = arith.constant 0 : i32
      %dma_start3A_23 = tpu.memref_slice %arg7[%mul3A_2, %dma_start3A_22] : memref<1024x384xf32, #tpu.memory_space<hbm>> -> memref<32x384xf32, #tpu.memory_space<hbm>>
      %dma_start3A_24 = arith.constant 0 : i32
      %dma_start3A_25 = tpu.memref_slice %arg7[%mul3A_2, %dma_start3A_24] : memref<1024x384xf32, #tpu.memory_space<hbm>> -> memref<32x384xf32, #tpu.memory_space<hbm>>
      tpu.enqueue_dma source(%arg9 : memref<32x384xf32, #tpu.memory_space<vmem>>) target(%dma_start3A_25 : memref<32x384xf32, #tpu.memory_space<hbm>>) target_semaphore(%run_scoped3A : memref<!tpu.dma_semaphore, #tpu.memory_space<semaphore_mem>>)
      %dma_wait3A_26 = arith.constant 0 : i32
      %dma_wait3A_27 = tpu.memref_slice %arg7[%mul3A_2, %dma_wait3A_26] : memref<1024x384xf32, #tpu.memory_space<hbm>> -> memref<32x384xf32, #tpu.memory_space<hbm>>
      %dma_wait3A_28 = arith.constant 0 : i32
      %dma_wait3A_29 = tpu.memref_slice %arg7[%mul3A_2, %dma_wait3A_28] : memref<1024x384xf32, #tpu.memory_space<hbm>> -> memref<32x384xf32, #tpu.memory_space<hbm>>
      tpu.wait_dma2 semaphore(%run_scoped3A : memref<!tpu.dma_semaphore, #tpu.memory_space<semaphore_mem>>) src(%arg9 : memref<32x384xf32, #tpu.memory_space<vmem>>) dst(%dma_wait3A_29 : memref<32x384xf32, #tpu.memory_space<hbm>>)
      tpu.yield
    }) : () -> ()
    return
  }
}

module attributes {stable_mosaic.version = 14 : i64} {
  func.func @_pair_kernel(%arg0: i32, %arg1: i32, %arg2: i32, %arg3: memref<1x64x1xi32, #tpu.memory_space<vmem>>, %arg4: memref<1x256x1xi32, #tpu.memory_space<vmem>>, %arg5: memref<32x128xbf16, #tpu.memory_space<vmem>>, %arg6: memref<64x128xbf16, #tpu.memory_space<vmem>>, %arg7: memref<1064x64xbf16, #tpu.memory_space<vmem>>, %arg8: memref<1x128xf32, #tpu.memory_space<vmem>>, %arg9: memref<1x128xf32, #tpu.memory_space<vmem>>, %arg10: memref<1x64x64x256xf32, #tpu.memory_space<vmem>>, %arg11: memref<2048x128xbf16, #tpu.memory_space<vmem>>, %arg12: memref<128x128xbf16, #tpu.memory_space<vmem>>, %arg13: memref<4x2048x128xbf16, #tpu.memory_space<vmem>>, %arg14: memref<256x256xbf16, #tpu.memory_space<vmem>>) attributes {dimension_semantics = [#tpu.dimension_semantics<arbitrary>, #tpu.dimension_semantics<arbitrary>, #tpu.dimension_semantics<arbitrary>], iteration_bounds = array<i64: 8, 2, 2>, scalar_prefetch = 0 : i64, scratch_operands = 4 : i64, tpu.core_type = #tpu.core_type<tc>, window_params = [{transform_indices = @transform_0, window_bounds = array<i64: 1, 64, 1>}, {transform_indices = @transform_1, window_bounds = array<i64: 1, 256, 1>}, {pipeline_mode = #tpu.pipeline_mode<synchronous>, transform_indices = @transform_2, window_bounds = array<i64: 32, 128>}, {pipeline_mode = #tpu.pipeline_mode<synchronous>, transform_indices = @transform_3, window_bounds = array<i64: 64, 128>}, {pipeline_mode = #tpu.pipeline_mode<synchronous>, transform_indices = @transform_4, window_bounds = array<i64: 1064, 64>}, {pipeline_mode = #tpu.pipeline_mode<synchronous>, transform_indices = @transform_5, window_bounds = array<i64: 1, 128>}, {pipeline_mode = #tpu.pipeline_mode<synchronous>, transform_indices = @transform_6, window_bounds = array<i64: 1, 128>}, {transform_indices = @transform_7, window_bounds = array<i64: 1, 64, 64, 256>}]} {
    %eq3A = arith.constant 0 : i32
    %eq3A_0 = arith.cmpi eq, %arg0, %eq3A : i32
    %eq3A_1 = arith.constant 0 : i32
    %eq3A_2 = arith.cmpi eq, %arg1, %eq3A_1 : i32
    %and3A = arith.andi %eq3A_0, %eq3A_2 : i1
    %eq3A_3 = arith.constant 0 : i32
    %eq3A_4 = arith.cmpi eq, %arg2, %eq3A_3 : i32
    %and3A_5 = arith.andi %and3A, %eq3A_4 : i1
    %convert_element_type3A = arith.extui %and3A_5 : i1 to i32
    %cond3A = arith.constant 0 : i32
    %cond3A_6 = arith.cmpi ne, %convert_element_type3A, %cond3A : i32
    scf.if %cond3A_6 {
      %iota3A_421 = tpu.iota {dimensions = array<i32: 0>} : vector<2048x128xi32>
      %iota3A_422 = tpu.iota {dimensions = array<i32: 1>} : vector<2048x128xi32>
      %jit3A_423 = arith.constant 32 : i32
      %div3A = vector.broadcast %jit3A_423 : i32 to vector<2048x128xi32>
      %div3A_424 = arith.divsi %iota3A_421, %div3A : vector<2048x128xi32>
      %sign3A = arith.constant 0 : i32
      %sign3A_425 = vector.broadcast %sign3A : i32 to vector<2048x128xi32>
      %sign3A_426 = arith.cmpi sgt, %iota3A_421, %sign3A_425 : vector<2048x128xi32>
      %sign3A_427 = arith.extui %sign3A_426 : vector<2048x128xi1> to vector<2048x128xi32>
      %sign3A_428 = arith.constant 0 : i32
      %sign3A_429 = vector.broadcast %sign3A_428 : i32 to vector<2048x128xi32>
      %sign3A_430 = arith.cmpi slt, %iota3A_421, %sign3A_429 : vector<2048x128xi32>
      %sign3A_431 = arith.extui %sign3A_430 : vector<2048x128xi1> to vector<2048x128xi32>
      %sign3A_432 = arith.subi %sign3A_427, %sign3A_431 : vector<2048x128xi32>
      %sign3A_433 = arith.constant 0 : i32
      %sign3A_434 = arith.cmpi sgt, %jit3A_423, %sign3A_433 : i32
      %sign3A_435 = arith.extui %sign3A_434 : i1 to i32
      %sign3A_436 = arith.constant 0 : i32
      %sign3A_437 = arith.cmpi slt, %jit3A_423, %sign3A_436 : i32
      %sign3A_438 = arith.extui %sign3A_437 : i1 to i32
      %sign3A_439 = arith.subi %sign3A_435, %sign3A_438 : i32
      %ne3A_440 = vector.broadcast %sign3A_439 : i32 to vector<2048x128xi32>
      %ne3A_441 = arith.cmpi ne, %sign3A_432, %ne3A_440 : vector<2048x128xi32>
      %rem3A_442 = vector.broadcast %jit3A_423 : i32 to vector<2048x128xi32>
      %rem3A_443 = arith.remsi %iota3A_421, %rem3A_442 : vector<2048x128xi32>
      %ne3A_444 = arith.constant 0 : i32
      %ne3A_445 = vector.broadcast %ne3A_444 : i32 to vector<2048x128xi32>
      %ne3A_446 = arith.cmpi ne, %rem3A_443, %ne3A_445 : vector<2048x128xi32>
      %and3A_447 = arith.andi %ne3A_441, %ne3A_446 : vector<2048x128xi1>
      %sub3A_448 = arith.constant 1 : i32
      %sub3A_449 = vector.broadcast %sub3A_448 : i32 to vector<2048x128xi32>
      %sub3A_450 = arith.subi %div3A_424, %sub3A_449 : vector<2048x128xi32>
      %select_n3A_451 = arith.select %and3A_447, %sub3A_450, %div3A_424 : vector<2048x128xi1>, vector<2048x128xi32>
      %jit3A_452 = arith.constant 32 : i32
      %eq3A_453 = arith.constant 0 : i32
      %eq3A_454 = arith.cmpi eq, %jit3A_452, %eq3A_453 : i32
      %jit3A_455 = arith.constant 1 : i32
      %select_n3A_456 = arith.select %eq3A_454, %jit3A_455, %jit3A_452 : i32
      %rem3A_457 = vector.broadcast %select_n3A_456 : i32 to vector<2048x128xi32>
      %rem3A_458 = arith.remsi %iota3A_421, %rem3A_457 : vector<2048x128xi32>
      %ne3A_459 = arith.constant 0 : i32
      %ne3A_460 = vector.broadcast %ne3A_459 : i32 to vector<2048x128xi32>
      %ne3A_461 = arith.cmpi ne, %rem3A_458, %ne3A_460 : vector<2048x128xi32>
      %lt3A_462 = arith.constant 0 : i32
      %lt3A_463 = vector.broadcast %lt3A_462 : i32 to vector<2048x128xi32>
      %lt3A_464 = arith.cmpi slt, %rem3A_458, %lt3A_463 : vector<2048x128xi32>
      %lt3A_465 = arith.constant 0 : i32
      %lt3A_466 = arith.cmpi slt, %select_n3A_456, %lt3A_465 : i32
      %ne3A_467 = vector.broadcast %lt3A_466 : i1 to vector<2048x128xi1>
      %ne3A_468 = vector.broadcast %ne3A_467 : vector<2048x128xi1> to vector<2048x128xi1>
      %ne3A_469 = arith.xori %lt3A_464, %ne3A_468 : vector<2048x128xi1>
      %and3A_470 = arith.andi %ne3A_469, %ne3A_461 : vector<2048x128xi1>
      %add3A_471 = vector.broadcast %select_n3A_456 : i32 to vector<2048x128xi32>
      %add3A_472 = arith.addi %rem3A_458, %add3A_471 : vector<2048x128xi32>
      %select_n3A_473 = arith.select %and3A_470, %add3A_472, %rem3A_458 : vector<2048x128xi1>, vector<2048x128xi32>
      %sub3A_474 = arith.subi %select_n3A_451, %select_n3A_473 : vector<2048x128xi32>
      %add3A_475 = arith.constant 32 : i32
      %add3A_476 = vector.broadcast %add3A_475 : i32 to vector<2048x128xi32>
      %add3A_477 = arith.addi %sub3A_474, %add3A_476 : vector<2048x128xi32>
      %eq3A_478 = arith.cmpi eq, %iota3A_422, %add3A_477 : vector<2048x128xi32>
      %convert_element_type3A_479 = arith.extui %eq3A_478 : vector<2048x128xi1> to vector<2048x128xi32>
      %convert_element_type3A_480 = arith.sitofp %convert_element_type3A_479 : vector<2048x128xi32> to vector<2048x128xf32>
      %convert_element_type3A_481 = arith.truncf %convert_element_type3A_480 : vector<2048x128xf32> to vector<2048x128xbf16>
      %swap3A_482 = arith.constant 0 : index
      %swap3A_483 = arith.constant 0 : index
      %swap3A_484 = vector.load %arg11[%swap3A_482, %swap3A_483] : memref<2048x128xbf16, #tpu.memory_space<vmem>>, vector<2048x128xbf16>
      tpu.vector_store %arg11[%swap3A_482, %swap3A_483], %convert_element_type3A_481 {strides = array<i32>} : memref<2048x128xbf16, #tpu.memory_space<vmem>>, vector<2048x128xbf16>,
      %iota3A_485 = tpu.iota {dimensions = array<i32: 0>} : vector<128x128xi32>
      %iota3A_486 = tpu.iota {dimensions = array<i32: 1>} : vector<128x128xi32>
      %jit3A_487 = arith.constant 64 : i32
      %div3A_488 = vector.broadcast %jit3A_487 : i32 to vector<128x128xi32>
      %div3A_489 = arith.divsi %iota3A_485, %div3A_488 : vector<128x128xi32>
      %sign3A_490 = arith.constant 0 : i32
      %sign3A_491 = vector.broadcast %sign3A_490 : i32 to vector<128x128xi32>
      %sign3A_492 = arith.cmpi sgt, %iota3A_485, %sign3A_491 : vector<128x128xi32>
      %sign3A_493 = arith.extui %sign3A_492 : vector<128x128xi1> to vector<128x128xi32>
      %sign3A_494 = arith.constant 0 : i32
      %sign3A_495 = vector.broadcast %sign3A_494 : i32 to vector<128x128xi32>
      %sign3A_496 = arith.cmpi slt, %iota3A_485, %sign3A_495 : vector<128x128xi32>
      %sign3A_497 = arith.extui %sign3A_496 : vector<128x128xi1> to vector<128x128xi32>
      %sign3A_498 = arith.subi %sign3A_493, %sign3A_497 : vector<128x128xi32>
      %sign3A_499 = arith.constant 0 : i32
      %sign3A_500 = arith.cmpi sgt, %jit3A_487, %sign3A_499 : i32
      %sign3A_501 = arith.extui %sign3A_500 : i1 to i32
      %sign3A_502 = arith.constant 0 : i32
      %sign3A_503 = arith.cmpi slt, %jit3A_487, %sign3A_502 : i32
      %sign3A_504 = arith.extui %sign3A_503 : i1 to i32
      %sign3A_505 = arith.subi %sign3A_501, %sign3A_504 : i32
      %ne3A_506 = vector.broadcast %sign3A_505 : i32 to vector<128x128xi32>
      %ne3A_507 = arith.cmpi ne, %sign3A_498, %ne3A_506 : vector<128x128xi32>
      %rem3A_508 = vector.broadcast %jit3A_487 : i32 to vector<128x128xi32>
      %rem3A_509 = arith.remsi %iota3A_485, %rem3A_508 : vector<128x128xi32>
      %ne3A_510 = arith.constant 0 : i32
      %ne3A_511 = vector.broadcast %ne3A_510 : i32 to vector<128x128xi32>
      %ne3A_512 = arith.cmpi ne, %rem3A_509, %ne3A_511 : vector<128x128xi32>
      %and3A_513 = arith.andi %ne3A_507, %ne3A_512 : vector<128x128xi1>
      %sub3A_514 = arith.constant 1 : i32
      %sub3A_515 = vector.broadcast %sub3A_514 : i32 to vector<128x128xi32>
      %sub3A_516 = arith.subi %div3A_489, %sub3A_515 : vector<128x128xi32>
      %select_n3A_517 = arith.select %and3A_513, %sub3A_516, %div3A_489 : vector<128x128xi1>, vector<128x128xi32>
      %jit3A_518 = arith.constant 64 : i32
      %div3A_519 = vector.broadcast %jit3A_518 : i32 to vector<128x128xi32>
      %div3A_520 = arith.divsi %iota3A_486, %div3A_519 : vector<128x128xi32>
      %sign3A_521 = arith.constant 0 : i32
      %sign3A_522 = vector.broadcast %sign3A_521 : i32 to vector<128x128xi32>
      %sign3A_523 = arith.cmpi sgt, %iota3A_486, %sign3A_522 : vector<128x128xi32>
      %sign3A_524 = arith.extui %sign3A_523 : vector<128x128xi1> to vector<128x128xi32>
      %sign3A_525 = arith.constant 0 : i32
      %sign3A_526 = vector.broadcast %sign3A_525 : i32 to vector<128x128xi32>
      %sign3A_527 = arith.cmpi slt, %iota3A_486, %sign3A_526 : vector<128x128xi32>
      %sign3A_528 = arith.extui %sign3A_527 : vector<128x128xi1> to vector<128x128xi32>
      %sign3A_529 = arith.subi %sign3A_524, %sign3A_528 : vector<128x128xi32>
      %sign3A_530 = arith.constant 0 : i32
      %sign3A_531 = arith.cmpi sgt, %jit3A_518, %sign3A_530 : i32
      %sign3A_532 = arith.extui %sign3A_531 : i1 to i32
      %sign3A_533 = arith.constant 0 : i32
      %sign3A_534 = arith.cmpi slt, %jit3A_518, %sign3A_533 : i32
      %sign3A_535 = arith.extui %sign3A_534 : i1 to i32
      %sign3A_536 = arith.subi %sign3A_532, %sign3A_535 : i32
      %ne3A_537 = vector.broadcast %sign3A_536 : i32 to vector<128x128xi32>
      %ne3A_538 = arith.cmpi ne, %sign3A_529, %ne3A_537 : vector<128x128xi32>
      %rem3A_539 = vector.broadcast %jit3A_518 : i32 to vector<128x128xi32>
      %rem3A_540 = arith.remsi %iota3A_486, %rem3A_539 : vector<128x128xi32>
      %ne3A_541 = arith.constant 0 : i32
      %ne3A_542 = vector.broadcast %ne3A_541 : i32 to vector<128x128xi32>
      %ne3A_543 = arith.cmpi ne, %rem3A_540, %ne3A_542 : vector<128x128xi32>
      %and3A_544 = arith.andi %ne3A_538, %ne3A_543 : vector<128x128xi1>
      %sub3A_545 = arith.constant 1 : i32
      %sub3A_546 = vector.broadcast %sub3A_545 : i32 to vector<128x128xi32>
      %sub3A_547 = arith.subi %div3A_520, %sub3A_546 : vector<128x128xi32>
      %select_n3A_548 = arith.select %and3A_544, %sub3A_547, %div3A_520 : vector<128x128xi1>, vector<128x128xi32>
      %eq3A_549 = arith.cmpi eq, %select_n3A_517, %select_n3A_548 : vector<128x128xi32>
      %convert_element_type3A_550 = arith.extui %eq3A_549 : vector<128x128xi1> to vector<128x128xi32>
      %convert_element_type3A_551 = arith.sitofp %convert_element_type3A_550 : vector<128x128xi32> to vector<128x128xf32>
      %mul3A_552 = arith.constant 1.562500e-02 : f32
      %mul3A_553 = vector.broadcast %mul3A_552 : f32 to vector<128x128xf32>
      %mul3A_554 = arith.mulf %convert_element_type3A_551, %mul3A_553 : vector<128x128xf32>
      %convert_element_type3A_555 = arith.truncf %mul3A_554 : vector<128x128xf32> to vector<128x128xbf16>
      %swap3A_556 = arith.constant 0 : index
      %swap3A_557 = arith.constant 0 : index
      %swap3A_558 = vector.load %arg12[%swap3A_556, %swap3A_557] : memref<128x128xbf16, #tpu.memory_space<vmem>>, vector<128x128xbf16>
      tpu.vector_store %arg12[%swap3A_556, %swap3A_557], %convert_element_type3A_555 {strides = array<i32>} : memref<128x128xbf16, #tpu.memory_space<vmem>>, vector<128x128xbf16>,
      %iota3A_559 = tpu.iota {dimensions = array<i32: 0>} : vector<256x256xi32>
      %iota3A_560 = tpu.iota {dimensions = array<i32: 1>} : vector<256x256xi32>
      %eq3A_561 = arith.cmpi eq, %iota3A_559, %iota3A_560 : vector<256x256xi32>
      %convert_element_type3A_562 = arith.extui %eq3A_561 : vector<256x256xi1> to vector<256x256xi32>
      %convert_element_type3A_563 = arith.sitofp %convert_element_type3A_562 : vector<256x256xi32> to vector<256x256xf32>
      %convert_element_type3A_564 = arith.truncf %convert_element_type3A_563 : vector<256x256xf32> to vector<256x256xbf16>
      %swap3A_565 = arith.constant 0 : index
      %swap3A_566 = arith.constant 0 : index
      %swap3A_567 = vector.load %arg14[%swap3A_565, %swap3A_566] : memref<256x256xbf16, #tpu.memory_space<vmem>>, vector<256x256xbf16>
      tpu.vector_store %arg14[%swap3A_565, %swap3A_566], %convert_element_type3A_564 {strides = array<i32>} : memref<256x256xbf16, #tpu.memory_space<vmem>>, vector<256x256xbf16>,
    } else {
    }
    %eq3A_7 = arith.constant 0 : i32
    %eq3A_8 = arith.cmpi eq, %arg2, %eq3A_7 : i32
    %convert_element_type3A_9 = arith.extui %eq3A_8 : i1 to i32
    %cond3A_10 = arith.constant 0 : i32
    %cond3A_11 = arith.cmpi ne, %convert_element_type3A_9, %cond3A_10 : i32
    scf.if %cond3A_11 {
      %mul3A_421 = arith.constant 4 : i32
      %mul3A_422 = arith.muli %mul3A_421, %arg1 : i32
      %sub3A_423 = arith.subi %arg0, %mul3A_422 : i32
      %sub3A_424 = arith.constant 0 : i32
      %sub3A_425 = arith.subi %sub3A_423, %sub3A_424 : i32
      %mul3A_426 = arith.constant 64 : i32
      %mul3A_427 = arith.muli %mul3A_426, %sub3A_425 : i32
      %add3A_428 = arith.constant 480 : i32
      %add3A_429 = arith.addi %mul3A_427, %add3A_428 : i32
      %get3A_430 = arith.index_cast %add3A_429 : i32 to index
      %get3A_431 = arith.constant 0 : index
      %get3A_432 = vector.load %arg7[%get3A_430, %get3A_431] : memref<1064x64xbf16, #tpu.memory_space<vmem>>, vector<128x64xbf16>
      %sub3A_433 = arith.constant 32 : i32
      %sub3A_434 = arith.subi %add3A_429, %sub3A_433 : i32
      %get3A_435 = arith.index_cast %sub3A_434 : i32 to index
      %get3A_436 = arith.constant 0 : index
      %get3A_437 = vector.load %arg7[%get3A_435, %get3A_436] : memref<1064x64xbf16, #tpu.memory_space<vmem>>, vector<128x64xbf16>
      %concatenate3A_438 = tpu.concatenate %get3A_432, %get3A_437 in 1 : vector<128x64xbf16>, vector<128x64xbf16> -> vector<128x128xbf16>
      %get3A_439 = arith.constant 0 : index
      %get3A_440 = arith.constant 0 : index
      %get3A_441 = vector.load %arg11[%get3A_439, %get3A_440] : memref<2048x128xbf16, #tpu.memory_space<vmem>>, vector<2048x128xbf16>
      %dot_general3A_442 = arith.constant dense<0.000000e+00> : vector<2048x128xf32>
      %dot_general3A_443 = tpu.matmul %get3A_441, %concatenate3A_438, %dot_general3A_442 {dimension_numbers = #tpu.dot_dimension_numbers<[1], [0], [0], [1], [0, 0, 1, 1], [], []>, transpose_lhs_hint = false} : vector<2048x128xbf16>, vector<128x128xbf16>, vector<2048x128xf32> -> vector<2048x128xf32>
      %convert_element_type3A_444 = arith.truncf %dot_general3A_443 : vector<2048x128xf32> to vector<2048x128xbf16>
      %swap3A_445 = arith.constant 0 : index
      %swap3A_446 = arith.constant 0 : index
      %swap3A_447 = arith.constant 0 : index
      %swap3A_448 = vector.load %arg13[%swap3A_445, %swap3A_446, %swap3A_447] : memref<4x2048x128xbf16, #tpu.memory_space<vmem>>, vector<1x2048x128xbf16>
      %swap3A_449 = vector.shape_cast %swap3A_448 : vector<1x2048x128xbf16> to vector<2048x128xbf16>
      %swap3A_450 = vector.shape_cast %convert_element_type3A_444 : vector<2048x128xbf16> to vector<1x2048x128xbf16>
      tpu.vector_store %arg13[%swap3A_445, %swap3A_446, %swap3A_447], %swap3A_450 {strides = array<i32>} : memref<4x2048x128xbf16, #tpu.memory_space<vmem>>, vector<1x2048x128xbf16>,
      %mul3A_451 = arith.constant 4 : i32
      %mul3A_452 = arith.muli %mul3A_451, %arg1 : i32
      %sub3A_453 = arith.subi %arg0, %mul3A_452 : i32
      %sub3A_454 = arith.constant 1 : i32
      %sub3A_455 = arith.subi %sub3A_453, %sub3A_454 : i32
      %mul3A_456 = arith.constant 64 : i32
      %mul3A_457 = arith.muli %mul3A_456, %sub3A_455 : i32
      %add3A_458 = arith.constant 480 : i32
      %add3A_459 = arith.addi %mul3A_457, %add3A_458 : i32
      %get3A_460 = arith.index_cast %add3A_459 : i32 to index
      %get3A_461 = arith.constant 0 : index
      %get3A_462 = vector.load %arg7[%get3A_460, %get3A_461] : memref<1064x64xbf16, #tpu.memory_space<vmem>>, vector<128x64xbf16>
      %sub3A_463 = arith.constant 32 : i32
      %sub3A_464 = arith.subi %add3A_459, %sub3A_463 : i32
      %get3A_465 = arith.index_cast %sub3A_464 : i32 to index
      %get3A_466 = arith.constant 0 : index
      %get3A_467 = vector.load %arg7[%get3A_465, %get3A_466] : memref<1064x64xbf16, #tpu.memory_space<vmem>>, vector<128x64xbf16>
      %concatenate3A_468 = tpu.concatenate %get3A_462, %get3A_467 in 1 : vector<128x64xbf16>, vector<128x64xbf16> -> vector<128x128xbf16>
      %get3A_469 = arith.constant 0 : index
      %get3A_470 = arith.constant 0 : index
      %get3A_471 = vector.load %arg11[%get3A_469, %get3A_470] : memref<2048x128xbf16, #tpu.memory_space<vmem>>, vector<2048x128xbf16>
      %dot_general3A_472 = arith.constant dense<0.000000e+00> : vector<2048x128xf32>
      %dot_general3A_473 = tpu.matmul %get3A_471, %concatenate3A_468, %dot_general3A_472 {dimension_numbers = #tpu.dot_dimension_numbers<[1], [0], [0], [1], [0, 0, 1, 1], [], []>, transpose_lhs_hint = false} : vector<2048x128xbf16>, vector<128x128xbf16>, vector<2048x128xf32> -> vector<2048x128xf32>
      %convert_element_type3A_474 = arith.truncf %dot_general3A_473 : vector<2048x128xf32> to vector<2048x128xbf16>
      %swap3A_475 = arith.constant 1 : index
      %swap3A_476 = arith.constant 0 : index
      %swap3A_477 = arith.constant 0 : index
      %swap3A_478 = vector.load %arg13[%swap3A_475, %swap3A_476, %swap3A_477] : memref<4x2048x128xbf16, #tpu.memory_space<vmem>>, vector<1x2048x128xbf16>
      %swap3A_479 = vector.shape_cast %swap3A_478 : vector<1x2048x128xbf16> to vector<2048x128xbf16>
      %swap3A_480 = vector.shape_cast %convert_element_type3A_474 : vector<2048x128xbf16> to vector<1x2048x128xbf16>
      tpu.vector_store %arg13[%swap3A_475, %swap3A_476, %swap3A_477], %swap3A_480 {strides = array<i32>} : memref<4x2048x128xbf16, #tpu.memory_space<vmem>>, vector<1x2048x128xbf16>,
      %mul3A_481 = arith.constant 4 : i32
      %mul3A_482 = arith.muli %mul3A_481, %arg1 : i32
      %sub3A_483 = arith.subi %arg0, %mul3A_482 : i32
      %sub3A_484 = arith.constant 2 : i32
      %sub3A_485 = arith.subi %sub3A_483, %sub3A_484 : i32
      %mul3A_486 = arith.constant 64 : i32
      %mul3A_487 = arith.muli %mul3A_486, %sub3A_485 : i32
      %add3A_488 = arith.constant 480 : i32
      %add3A_489 = arith.addi %mul3A_487, %add3A_488 : i32
      %get3A_490 = arith.index_cast %add3A_489 : i32 to index
      %get3A_491 = arith.constant 0 : index
      %get3A_492 = vector.load %arg7[%get3A_490, %get3A_491] : memref<1064x64xbf16, #tpu.memory_space<vmem>>, vector<128x64xbf16>
      %sub3A_493 = arith.constant 32 : i32
      %sub3A_494 = arith.subi %add3A_489, %sub3A_493 : i32
      %get3A_495 = arith.index_cast %sub3A_494 : i32 to index
      %get3A_496 = arith.constant 0 : index
      %get3A_497 = vector.load %arg7[%get3A_495, %get3A_496] : memref<1064x64xbf16, #tpu.memory_space<vmem>>, vector<128x64xbf16>
      %concatenate3A_498 = tpu.concatenate %get3A_492, %get3A_497 in 1 : vector<128x64xbf16>, vector<128x64xbf16> -> vector<128x128xbf16>
      %get3A_499 = arith.constant 0 : index
      %get3A_500 = arith.constant 0 : index
      %get3A_501 = vector.load %arg11[%get3A_499, %get3A_500] : memref<2048x128xbf16, #tpu.memory_space<vmem>>, vector<2048x128xbf16>
      %dot_general3A_502 = arith.constant dense<0.000000e+00> : vector<2048x128xf32>
      %dot_general3A_503 = tpu.matmul %get3A_501, %concatenate3A_498, %dot_general3A_502 {dimension_numbers = #tpu.dot_dimension_numbers<[1], [0], [0], [1], [0, 0, 1, 1], [], []>, transpose_lhs_hint = false} : vector<2048x128xbf16>, vector<128x128xbf16>, vector<2048x128xf32> -> vector<2048x128xf32>
      %convert_element_type3A_504 = arith.truncf %dot_general3A_503 : vector<2048x128xf32> to vector<2048x128xbf16>
      %swap3A_505 = arith.constant 2 : index
      %swap3A_506 = arith.constant 0 : index
      %swap3A_507 = arith.constant 0 : index
      %swap3A_508 = vector.load %arg13[%swap3A_505, %swap3A_506, %swap3A_507] : memref<4x2048x128xbf16, #tpu.memory_space<vmem>>, vector<1x2048x128xbf16>
      %swap3A_509 = vector.shape_cast %swap3A_508 : vector<1x2048x128xbf16> to vector<2048x128xbf16>
      %swap3A_510 = vector.shape_cast %convert_element_type3A_504 : vector<2048x128xbf16> to vector<1x2048x128xbf16>
      tpu.vector_store %arg13[%swap3A_505, %swap3A_506, %swap3A_507], %swap3A_510 {strides = array<i32>} : memref<4x2048x128xbf16, #tpu.memory_space<vmem>>, vector<1x2048x128xbf16>,
      %mul3A_511 = arith.constant 4 : i32
      %mul3A_512 = arith.muli %mul3A_511, %arg1 : i32
      %sub3A_513 = arith.subi %arg0, %mul3A_512 : i32
      %sub3A_514 = arith.constant 3 : i32
      %sub3A_515 = arith.subi %sub3A_513, %sub3A_514 : i32
      %mul3A_516 = arith.constant 64 : i32
      %mul3A_517 = arith.muli %mul3A_516, %sub3A_515 : i32
      %add3A_518 = arith.constant 480 : i32
      %add3A_519 = arith.addi %mul3A_517, %add3A_518 : i32
      %get3A_520 = arith.index_cast %add3A_519 : i32 to index
      %get3A_521 = arith.constant 0 : index
      %get3A_522 = vector.load %arg7[%get3A_520, %get3A_521] : memref<1064x64xbf16, #tpu.memory_space<vmem>>, vector<128x64xbf16>
      %sub3A_523 = arith.constant 32 : i32
      %sub3A_524 = arith.subi %add3A_519, %sub3A_523 : i32
      %get3A_525 = arith.index_cast %sub3A_524 : i32 to index
      %get3A_526 = arith.constant 0 : index
      %get3A_527 = vector.load %arg7[%get3A_525, %get3A_526] : memref<1064x64xbf16, #tpu.memory_space<vmem>>, vector<128x64xbf16>
      %concatenate3A_528 = tpu.concatenate %get3A_522, %get3A_527 in 1 : vector<128x64xbf16>, vector<128x64xbf16> -> vector<128x128xbf16>
      %get3A_529 = arith.constant 0 : index
      %get3A_530 = arith.constant 0 : index
      %get3A_531 = vector.load %arg11[%get3A_529, %get3A_530] : memref<2048x128xbf16, #tpu.memory_space<vmem>>, vector<2048x128xbf16>
      %dot_general3A_532 = arith.constant dense<0.000000e+00> : vector<2048x128xf32>
      %dot_general3A_533 = tpu.matmul %get3A_531, %concatenate3A_528, %dot_general3A_532 {dimension_numbers = #tpu.dot_dimension_numbers<[1], [0], [0], [1], [0, 0, 1, 1], [], []>, transpose_lhs_hint = false} : vector<2048x128xbf16>, vector<128x128xbf16>, vector<2048x128xf32> -> vector<2048x128xf32>
      %convert_element_type3A_534 = arith.truncf %dot_general3A_533 : vector<2048x128xf32> to vector<2048x128xbf16>
      %swap3A_535 = arith.constant 3 : index
      %swap3A_536 = arith.constant 0 : index
      %swap3A_537 = arith.constant 0 : index
      %swap3A_538 = vector.load %arg13[%swap3A_535, %swap3A_536, %swap3A_537] : memref<4x2048x128xbf16, #tpu.memory_space<vmem>>, vector<1x2048x128xbf16>
      %swap3A_539 = vector.shape_cast %swap3A_538 : vector<1x2048x128xbf16> to vector<2048x128xbf16>
      %swap3A_540 = vector.shape_cast %convert_element_type3A_534 : vector<2048x128xbf16> to vector<1x2048x128xbf16>
      tpu.vector_store %arg13[%swap3A_535, %swap3A_536, %swap3A_537], %swap3A_540 {strides = array<i32>} : memref<4x2048x128xbf16, #tpu.memory_space<vmem>>, vector<1x2048x128xbf16>,
    } else {
    }
    %get3A = arith.constant 0 : index
    %get3A_12 = arith.constant 0 : index
    %get3A_13 = arith.constant 0 : index
    %get3A_14 = vector.load %arg3[%get3A, %get3A_12, %get3A_13] : memref<1x64x1xi32, #tpu.memory_space<vmem>>, vector<1x64x1xi32>
    %get3A_15 = vector.shape_cast %get3A_14 : vector<1x64x1xi32> to vector<64x1xi32>
    %iota3A = tpu.iota {dimensions = array<i32: 1>} : vector<64x32xi32>
    %eq3A_16 = vector.broadcast %get3A_15 : vector<64x1xi32> to vector<64x32xi32>
    %eq3A_17 = arith.cmpi eq, %eq3A_16, %iota3A : vector<64x32xi32>
    %convert_element_type3A_18 = arith.extui %eq3A_17 : vector<64x32xi1> to vector<64x32xi32>
    %convert_element_type3A_19 = arith.sitofp %convert_element_type3A_18 : vector<64x32xi32> to vector<64x32xf32>
    %convert_element_type3A_20 = arith.truncf %convert_element_type3A_19 : vector<64x32xf32> to vector<64x32xbf16>
    %get3A_21 = arith.constant 0 : index
    %get3A_22 = arith.constant 0 : index
    %get3A_23 = vector.load %arg5[%get3A_21, %get3A_22] : memref<32x128xbf16, #tpu.memory_space<vmem>>, vector<32x128xbf16>
    %dot_general3A = arith.constant dense<0.000000e+00> : vector<64x128xf32>
    %dot_general3A_24 = tpu.matmul %convert_element_type3A_20, %get3A_23, %dot_general3A {dimension_numbers = #tpu.dot_dimension_numbers<[1], [0], [0], [1], [0, 0, 1, 1], [], []>, transpose_lhs_hint = false} : vector<64x32xbf16>, vector<32x128xbf16>, vector<64x128xf32> -> vector<64x128xf32>
    %convert_element_type3A_25 = arith.truncf %dot_general3A_24 : vector<64x128xf32> to vector<64x128xbf16>
    %get3A_26 = arith.constant 0 : index
    %get3A_27 = arith.constant 0 : index
    %get3A_28 = arith.constant 0 : index
    %get3A_29 = vector.load %arg4[%get3A_26, %get3A_27, %get3A_28] : memref<1x256x1xi32, #tpu.memory_space<vmem>>, vector<1x64x1xi32>
    %get3A_30 = vector.shape_cast %get3A_29 : vector<1x64x1xi32> to vector<64x1xi32>
    %slice3A = vector.extract_strided_slice %get3A_30 {offsets = [0, 0], sizes = [32, 1], strides = [1, 1]} : vector<64x1xi32> to vector<32x1xi32>
    %broadcast_in_dim3A = vector.shape_cast %slice3A : vector<32x1xi32> to vector<32x1xi32>
    %broadcast_in_dim3A_31 = vector.broadcast %broadcast_in_dim3A : vector<32x1xi32> to vector<32x32xi32>
    %slice3A_32 = vector.extract_strided_slice %get3A_30 {offsets = [32, 0], sizes = [32, 1], strides = [1, 1]} : vector<64x1xi32> to vector<32x1xi32>
    %broadcast_in_dim3A_33 = vector.shape_cast %slice3A_32 : vector<32x1xi32> to vector<32x1xi32>
    %broadcast_in_dim3A_34 = vector.broadcast %broadcast_in_dim3A_33 : vector<32x1xi32> to vector<32x32xi32>
    %concatenate3A = tpu.concatenate %broadcast_in_dim3A_31, %broadcast_in_dim3A_34 in 1 : vector<32x32xi32>, vector<32x32xi32> -> vector<32x64xi32>
    %iota3A_35 = tpu.iota {dimensions = array<i32: 1>} : vector<32x64xi32>
    %jit3A = arith.constant 32 : i32
    %eq3A_36 = arith.constant 0 : i32
    %eq3A_37 = arith.cmpi eq, %jit3A, %eq3A_36 : i32
    %jit3A_38 = arith.constant 1 : i32
    %select_n3A = arith.select %eq3A_37, %jit3A_38, %jit3A : i32
    %rem3A = vector.broadcast %select_n3A : i32 to vector<32x64xi32>
    %rem3A_39 = arith.remsi %iota3A_35, %rem3A : vector<32x64xi32>
    %ne3A = arith.constant 0 : i32
    %ne3A_40 = vector.broadcast %ne3A : i32 to vector<32x64xi32>
    %ne3A_41 = arith.cmpi ne, %rem3A_39, %ne3A_40 : vector<32x64xi32>
    %lt3A = arith.constant 0 : i32
    %lt3A_42 = vector.broadcast %lt3A : i32 to vector<32x64xi32>
    %lt3A_43 = arith.cmpi slt, %rem3A_39, %lt3A_42 : vector<32x64xi32>
    %lt3A_44 = arith.constant 0 : i32
    %lt3A_45 = arith.cmpi slt, %select_n3A, %lt3A_44 : i32
    %ne3A_46 = vector.broadcast %lt3A_45 : i1 to vector<32x64xi1>
    %ne3A_47 = vector.broadcast %ne3A_46 : vector<32x64xi1> to vector<32x64xi1>
    %ne3A_48 = arith.xori %lt3A_43, %ne3A_47 : vector<32x64xi1>
    %and3A_49 = arith.andi %ne3A_48, %ne3A_41 : vector<32x64xi1>
    %add3A = vector.broadcast %select_n3A : i32 to vector<32x64xi32>
    %add3A_50 = arith.addi %rem3A_39, %add3A : vector<32x64xi32>
    %select_n3A_51 = arith.select %and3A_49, %add3A_50, %rem3A_39 : vector<32x64xi1>, vector<32x64xi32>
    %eq3A_52 = arith.cmpi eq, %concatenate3A, %select_n3A_51 : vector<32x64xi32>
    %convert_element_type3A_53 = arith.extui %eq3A_52 : vector<32x64xi1> to vector<32x64xi32>
    %convert_element_type3A_54 = arith.sitofp %convert_element_type3A_53 : vector<32x64xi32> to vector<32x64xf32>
    %convert_element_type3A_55 = arith.truncf %convert_element_type3A_54 : vector<32x64xf32> to vector<32x64xbf16>
    %get3A_56 = arith.constant 0 : index
    %get3A_57 = arith.constant 0 : index
    %get3A_58 = vector.load %arg6[%get3A_56, %get3A_57] : memref<64x128xbf16, #tpu.memory_space<vmem>>, vector<64x128xbf16>
    %dot_general3A_59 = arith.constant dense<0.000000e+00> : vector<32x128xf32>
    %dot_general3A_60 = tpu.matmul %convert_element_type3A_55, %get3A_58, %dot_general3A_59 {dimension_numbers = #tpu.dot_dimension_numbers<[1], [0], [0], [1], [0, 0, 1, 1], [], []>, transpose_lhs_hint = false} : vector<32x64xbf16>, vector<64x128xbf16>, vector<32x128xf32> -> vector<32x128xf32>
    %convert_element_type3A_61 = arith.truncf %dot_general3A_60 : vector<32x128xf32> to vector<32x128xbf16>
    %get3A_62 = arith.constant 0 : index
    %get3A_63 = arith.constant 0 : index
    %get3A_64 = arith.constant 0 : index
    %get3A_65 = vector.load %arg13[%get3A_62, %get3A_63, %get3A_64] : memref<4x2048x128xbf16, #tpu.memory_space<vmem>>, vector<1x2048x128xbf16>
    %get3A_66 = vector.shape_cast %get3A_65 : vector<1x2048x128xbf16> to vector<2048x128xbf16>
    %reshape3A = vector.shape_cast %get3A_66 : vector<2048x128xbf16> to vector<64x32x128xbf16>
    %broadcast_in_dim3A_67 = vector.shape_cast %convert_element_type3A_25 : vector<64x128xbf16> to vector<64x1x128xbf16>
    %add3A_68 = vector.broadcast %broadcast_in_dim3A_67 : vector<64x1x128xbf16> to vector<64x32x128xbf16>
    %add3A_69 = arith.addf %reshape3A, %add3A_68 : vector<64x32x128xbf16>
    %broadcast_in_dim3A_70 = vector.shape_cast %convert_element_type3A_61 : vector<32x128xbf16> to vector<1x32x128xbf16>
    %add3A_71 = vector.broadcast %broadcast_in_dim3A_70 : vector<1x32x128xbf16> to vector<64x32x128xbf16>
    %add3A_72 = arith.addf %add3A_69, %add3A_71 : vector<64x32x128xbf16>
    %reshape3A_73 = vector.shape_cast %add3A_72 : vector<64x32x128xbf16> to vector<2048x128xbf16>
    %get3A_74 = arith.constant 0 : index
    %get3A_75 = arith.constant 0 : index
    %get3A_76 = vector.load %arg12[%get3A_74, %get3A_75] : memref<128x128xbf16, #tpu.memory_space<vmem>>, vector<128x128xbf16>
    %dot_general3A_77 = arith.constant dense<0.000000e+00> : vector<2048x128xf32>
    %dot_general3A_78 = tpu.matmul %reshape3A_73, %get3A_76, %dot_general3A_77 {dimension_numbers = #tpu.dot_dimension_numbers<[1], [0], [0], [1], [0, 0, 1, 1], [], []>, transpose_lhs_hint = false} : vector<2048x128xbf16>, vector<128x128xbf16>, vector<2048x128xf32> -> vector<2048x128xf32>
    %mul3A = arith.mulf %reshape3A_73, %reshape3A_73 : vector<2048x128xbf16>
    %get3A_79 = arith.constant 0 : index
    %get3A_80 = arith.constant 0 : index
    %get3A_81 = vector.load %arg12[%get3A_79, %get3A_80] : memref<128x128xbf16, #tpu.memory_space<vmem>>, vector<128x128xbf16>
    %dot_general3A_82 = arith.constant dense<0.000000e+00> : vector<2048x128xf32>
    %dot_general3A_83 = tpu.matmul %mul3A, %get3A_81, %dot_general3A_82 {dimension_numbers = #tpu.dot_dimension_numbers<[1], [0], [0], [1], [0, 0, 1, 1], [], []>, transpose_lhs_hint = false} : vector<2048x128xbf16>, vector<128x128xbf16>, vector<2048x128xf32> -> vector<2048x128xf32>
    %mul3A_84 = arith.mulf %dot_general3A_78, %dot_general3A_78 : vector<2048x128xf32>
    %sub3A = arith.subf %dot_general3A_83, %mul3A_84 : vector<2048x128xf32>
    %add3A_85 = arith.constant 9.99999974E-6 : f32
    %add3A_86 = vector.broadcast %add3A_85 : f32 to vector<2048x128xf32>
    %add3A_87 = arith.addf %sub3A, %add3A_86 : vector<2048x128xf32>
    %rsqrt3A = math.rsqrt %add3A_87 : vector<2048x128xf32>
    %get3A_88 = arith.constant 0 : index
    %get3A_89 = arith.constant 0 : index
    %get3A_90 = vector.load %arg8[%get3A_88, %get3A_89] : memref<1x128xf32, #tpu.memory_space<vmem>>, vector<1x128xf32>
    %get3A_91 = vector.shape_cast %get3A_90 : vector<1x128xf32> to vector<128xf32>
    %broadcast_in_dim3A_92 = vector.shape_cast %get3A_91 : vector<128xf32> to vector<1x128xf32>
    %mul3A_93 = vector.broadcast %broadcast_in_dim3A_92 : vector<1x128xf32> to vector<2048x128xf32>
    %mul3A_94 = arith.mulf %rsqrt3A, %mul3A_93 : vector<2048x128xf32>
    %convert_element_type3A_95 = arith.truncf %mul3A_94 : vector<2048x128xf32> to vector<2048x128xbf16>
    %get3A_96 = arith.constant 0 : index
    %get3A_97 = arith.constant 0 : index
    %get3A_98 = vector.load %arg9[%get3A_96, %get3A_97] : memref<1x128xf32, #tpu.memory_space<vmem>>, vector<1x128xf32>
    %get3A_99 = vector.shape_cast %get3A_98 : vector<1x128xf32> to vector<128xf32>
    %mul3A_100 = arith.mulf %dot_general3A_78, %mul3A_94 : vector<2048x128xf32>
    %broadcast_in_dim3A_101 = vector.shape_cast %get3A_99 : vector<128xf32> to vector<1x128xf32>
    %sub3A_102 = vector.broadcast %broadcast_in_dim3A_101 : vector<1x128xf32> to vector<2048x128xf32>
    %sub3A_103 = arith.subf %sub3A_102, %mul3A_100 : vector<2048x128xf32>
    %convert_element_type3A_104 = arith.truncf %sub3A_103 : vector<2048x128xf32> to vector<2048x128xbf16>
    %mul3A_105 = arith.mulf %reshape3A_73, %convert_element_type3A_95 : vector<2048x128xbf16>
    %add3A_106 = arith.addf %mul3A_105, %convert_element_type3A_104 : vector<2048x128xbf16>
    %slice3A_107 = vector.extract_strided_slice %add3A_106 {offsets = [0, 0], sizes = [2048, 64], strides = [1, 1]} : vector<2048x128xbf16> to vector<2048x64xbf16>
    %reshape3A_108 = vector.shape_cast %slice3A_107 : vector<2048x64xbf16> to vector<64x32x64xbf16>
    %slice3A_109 = vector.extract_strided_slice %add3A_106 {offsets = [0, 64], sizes = [2048, 64], strides = [1, 1]} : vector<2048x128xbf16> to vector<2048x64xbf16>
    %reshape3A_110 = vector.shape_cast %slice3A_109 : vector<2048x64xbf16> to vector<64x32x64xbf16>
    %concatenate3A_111 = tpu.concatenate %reshape3A_108, %reshape3A_110 in 1 : vector<64x32x64xbf16>, vector<64x32x64xbf16> -> vector<64x64x64xbf16>
    %get3A_112 = arith.constant 0 : index
    %get3A_113 = arith.constant 64 : index
    %get3A_114 = arith.constant 0 : index
    %get3A_115 = vector.load %arg4[%get3A_112, %get3A_113, %get3A_114] : memref<1x256x1xi32, #tpu.memory_space<vmem>>, vector<1x64x1xi32>
    %get3A_116 = vector.shape_cast %get3A_115 : vector<1x64x1xi32> to vector<64x1xi32>
    %slice3A_117 = vector.extract_strided_slice %get3A_116 {offsets = [0, 0], sizes = [32, 1], strides = [1, 1]} : vector<64x1xi32> to vector<32x1xi32>
    %broadcast_in_dim3A_118 = vector.shape_cast %slice3A_117 : vector<32x1xi32> to vector<32x1xi32>
    %broadcast_in_dim3A_119 = vector.broadcast %broadcast_in_dim3A_118 : vector<32x1xi32> to vector<32x32xi32>
    %slice3A_120 = vector.extract_strided_slice %get3A_116 {offsets = [32, 0], sizes = [32, 1], strides = [1, 1]} : vector<64x1xi32> to vector<32x1xi32>
    %broadcast_in_dim3A_121 = vector.shape_cast %slice3A_120 : vector<32x1xi32> to vector<32x1xi32>
    %broadcast_in_dim3A_122 = vector.broadcast %broadcast_in_dim3A_121 : vector<32x1xi32> to vector<32x32xi32>
    %concatenate3A_123 = tpu.concatenate %broadcast_in_dim3A_119, %broadcast_in_dim3A_122 in 1 : vector<32x32xi32>, vector<32x32xi32> -> vector<32x64xi32>
    %iota3A_124 = tpu.iota {dimensions = array<i32: 1>} : vector<32x64xi32>
    %jit3A_125 = arith.constant 32 : i32
    %eq3A_126 = arith.constant 0 : i32
    %eq3A_127 = arith.cmpi eq, %jit3A_125, %eq3A_126 : i32
    %jit3A_128 = arith.constant 1 : i32
    %select_n3A_129 = arith.select %eq3A_127, %jit3A_128, %jit3A_125 : i32
    %rem3A_130 = vector.broadcast %select_n3A_129 : i32 to vector<32x64xi32>
    %rem3A_131 = arith.remsi %iota3A_124, %rem3A_130 : vector<32x64xi32>
    %ne3A_132 = arith.constant 0 : i32
    %ne3A_133 = vector.broadcast %ne3A_132 : i32 to vector<32x64xi32>
    %ne3A_134 = arith.cmpi ne, %rem3A_131, %ne3A_133 : vector<32x64xi32>
    %lt3A_135 = arith.constant 0 : i32
    %lt3A_136 = vector.broadcast %lt3A_135 : i32 to vector<32x64xi32>
    %lt3A_137 = arith.cmpi slt, %rem3A_131, %lt3A_136 : vector<32x64xi32>
    %lt3A_138 = arith.constant 0 : i32
    %lt3A_139 = arith.cmpi slt, %select_n3A_129, %lt3A_138 : i32
    %ne3A_140 = vector.broadcast %lt3A_139 : i1 to vector<32x64xi1>
    %ne3A_141 = vector.broadcast %ne3A_140 : vector<32x64xi1> to vector<32x64xi1>
    %ne3A_142 = arith.xori %lt3A_137, %ne3A_141 : vector<32x64xi1>
    %and3A_143 = arith.andi %ne3A_142, %ne3A_134 : vector<32x64xi1>
    %add3A_144 = vector.broadcast %select_n3A_129 : i32 to vector<32x64xi32>
    %add3A_145 = arith.addi %rem3A_131, %add3A_144 : vector<32x64xi32>
    %select_n3A_146 = arith.select %and3A_143, %add3A_145, %rem3A_131 : vector<32x64xi1>, vector<32x64xi32>
    %eq3A_147 = arith.cmpi eq, %concatenate3A_123, %select_n3A_146 : vector<32x64xi32>
    %convert_element_type3A_148 = arith.extui %eq3A_147 : vector<32x64xi1> to vector<32x64xi32>
    %convert_element_type3A_149 = arith.sitofp %convert_element_type3A_148 : vector<32x64xi32> to vector<32x64xf32>
    %convert_element_type3A_150 = arith.truncf %convert_element_type3A_149 : vector<32x64xf32> to vector<32x64xbf16>
    %get3A_151 = arith.constant 0 : index
    %get3A_152 = arith.constant 0 : index
    %get3A_153 = vector.load %arg6[%get3A_151, %get3A_152] : memref<64x128xbf16, #tpu.memory_space<vmem>>, vector<64x128xbf16>
    %dot_general3A_154 = arith.constant dense<0.000000e+00> : vector<32x128xf32>
    %dot_general3A_155 = tpu.matmul %convert_element_type3A_150, %get3A_153, %dot_general3A_154 {dimension_numbers = #tpu.dot_dimension_numbers<[1], [0], [0], [1], [0, 0, 1, 1], [], []>, transpose_lhs_hint = false} : vector<32x64xbf16>, vector<64x128xbf16>, vector<32x128xf32> -> vector<32x128xf32>
    %convert_element_type3A_156 = arith.truncf %dot_general3A_155 : vector<32x128xf32> to vector<32x128xbf16>
    %get3A_157 = arith.constant 1 : index
    %get3A_158 = arith.constant 0 : index
    %get3A_159 = arith.constant 0 : index
    %get3A_160 = vector.load %arg13[%get3A_157, %get3A_158, %get3A_159] : memref<4x2048x128xbf16, #tpu.memory_space<vmem>>, vector<1x2048x128xbf16>
    %get3A_161 = vector.shape_cast %get3A_160 : vector<1x2048x128xbf16> to vector<2048x128xbf16>
    %reshape3A_162 = vector.shape_cast %get3A_161 : vector<2048x128xbf16> to vector<64x32x128xbf16>
    %broadcast_in_dim3A_163 = vector.shape_cast %convert_element_type3A_25 : vector<64x128xbf16> to vector<64x1x128xbf16>
    %add3A_164 = vector.broadcast %broadcast_in_dim3A_163 : vector<64x1x128xbf16> to vector<64x32x128xbf16>
    %add3A_165 = arith.addf %reshape3A_162, %add3A_164 : vector<64x32x128xbf16>
    %broadcast_in_dim3A_166 = vector.shape_cast %convert_element_type3A_156 : vector<32x128xbf16> to vector<1x32x128xbf16>
    %add3A_167 = vector.broadcast %broadcast_in_dim3A_166 : vector<1x32x128xbf16> to vector<64x32x128xbf16>
    %add3A_168 = arith.addf %add3A_165, %add3A_167 : vector<64x32x128xbf16>
    %reshape3A_169 = vector.shape_cast %add3A_168 : vector<64x32x128xbf16> to vector<2048x128xbf16>
    %get3A_170 = arith.constant 0 : index
    %get3A_171 = arith.constant 0 : index
    %get3A_172 = vector.load %arg12[%get3A_170, %get3A_171] : memref<128x128xbf16, #tpu.memory_space<vmem>>, vector<128x128xbf16>
    %dot_general3A_173 = arith.constant dense<0.000000e+00> : vector<2048x128xf32>
    %dot_general3A_174 = tpu.matmul %reshape3A_169, %get3A_172, %dot_general3A_173 {dimension_numbers = #tpu.dot_dimension_numbers<[1], [0], [0], [1], [0, 0, 1, 1], [], []>, transpose_lhs_hint = false} : vector<2048x128xbf16>, vector<128x128xbf16>, vector<2048x128xf32> -> vector<2048x128xf32>
    %mul3A_175 = arith.mulf %reshape3A_169, %reshape3A_169 : vector<2048x128xbf16>
    %get3A_176 = arith.constant 0 : index
    %get3A_177 = arith.constant 0 : index
    %get3A_178 = vector.load %arg12[%get3A_176, %get3A_177] : memref<128x128xbf16, #tpu.memory_space<vmem>>, vector<128x128xbf16>
    %dot_general3A_179 = arith.constant dense<0.000000e+00> : vector<2048x128xf32>
    %dot_general3A_180 = tpu.matmul %mul3A_175, %get3A_178, %dot_general3A_179 {dimension_numbers = #tpu.dot_dimension_numbers<[1], [0], [0], [1], [0, 0, 1, 1], [], []>, transpose_lhs_hint = false} : vector<2048x128xbf16>, vector<128x128xbf16>, vector<2048x128xf32> -> vector<2048x128xf32>
    %mul3A_181 = arith.mulf %dot_general3A_174, %dot_general3A_174 : vector<2048x128xf32>
    %sub3A_182 = arith.subf %dot_general3A_180, %mul3A_181 : vector<2048x128xf32>
    %add3A_183 = arith.constant 9.99999974E-6 : f32
    %add3A_184 = vector.broadcast %add3A_183 : f32 to vector<2048x128xf32>
    %add3A_185 = arith.addf %sub3A_182, %add3A_184 : vector<2048x128xf32>
    %rsqrt3A_186 = math.rsqrt %add3A_185 : vector<2048x128xf32>
    %get3A_187 = arith.constant 0 : index
    %get3A_188 = arith.constant 0 : index
    %get3A_189 = vector.load %arg8[%get3A_187, %get3A_188] : memref<1x128xf32, #tpu.memory_space<vmem>>, vector<1x128xf32>
    %get3A_190 = vector.shape_cast %get3A_189 : vector<1x128xf32> to vector<128xf32>
    %broadcast_in_dim3A_191 = vector.shape_cast %get3A_190 : vector<128xf32> to vector<1x128xf32>
    %mul3A_192 = vector.broadcast %broadcast_in_dim3A_191 : vector<1x128xf32> to vector<2048x128xf32>
    %mul3A_193 = arith.mulf %rsqrt3A_186, %mul3A_192 : vector<2048x128xf32>
    %convert_element_type3A_194 = arith.truncf %mul3A_193 : vector<2048x128xf32> to vector<2048x128xbf16>
    %get3A_195 = arith.constant 0 : index
    %get3A_196 = arith.constant 0 : index
    %get3A_197 = vector.load %arg9[%get3A_195, %get3A_196] : memref<1x128xf32, #tpu.memory_space<vmem>>, vector<1x128xf32>
    %get3A_198 = vector.shape_cast %get3A_197 : vector<1x128xf32> to vector<128xf32>
    %mul3A_199 = arith.mulf %dot_general3A_174, %mul3A_193 : vector<2048x128xf32>
    %broadcast_in_dim3A_200 = vector.shape_cast %get3A_198 : vector<128xf32> to vector<1x128xf32>
    %sub3A_201 = vector.broadcast %broadcast_in_dim3A_200 : vector<1x128xf32> to vector<2048x128xf32>
    %sub3A_202 = arith.subf %sub3A_201, %mul3A_199 : vector<2048x128xf32>
    %convert_element_type3A_203 = arith.truncf %sub3A_202 : vector<2048x128xf32> to vector<2048x128xbf16>
    %mul3A_204 = arith.mulf %reshape3A_169, %convert_element_type3A_194 : vector<2048x128xbf16>
    %add3A_205 = arith.addf %mul3A_204, %convert_element_type3A_203 : vector<2048x128xbf16>
    %slice3A_206 = vector.extract_strided_slice %add3A_205 {offsets = [0, 0], sizes = [2048, 64], strides = [1, 1]} : vector<2048x128xbf16> to vector<2048x64xbf16>
    %reshape3A_207 = vector.shape_cast %slice3A_206 : vector<2048x64xbf16> to vector<64x32x64xbf16>
    %slice3A_208 = vector.extract_strided_slice %add3A_205 {offsets = [0, 64], sizes = [2048, 64], strides = [1, 1]} : vector<2048x128xbf16> to vector<2048x64xbf16>
    %reshape3A_209 = vector.shape_cast %slice3A_208 : vector<2048x64xbf16> to vector<64x32x64xbf16>
    %concatenate3A_210 = tpu.concatenate %reshape3A_207, %reshape3A_209 in 1 : vector<64x32x64xbf16>, vector<64x32x64xbf16> -> vector<64x64x64xbf16>
    %get3A_211 = arith.constant 0 : index
    %get3A_212 = arith.constant 128 : index
    %get3A_213 = arith.constant 0 : index
    %get3A_214 = vector.load %arg4[%get3A_211, %get3A_212, %get3A_213] : memref<1x256x1xi32, #tpu.memory_space<vmem>>, vector<1x64x1xi32>
    %get3A_215 = vector.shape_cast %get3A_214 : vector<1x64x1xi32> to vector<64x1xi32>
    %slice3A_216 = vector.extract_strided_slice %get3A_215 {offsets = [0, 0], sizes = [32, 1], strides = [1, 1]} : vector<64x1xi32> to vector<32x1xi32>
    %broadcast_in_dim3A_217 = vector.shape_cast %slice3A_216 : vector<32x1xi32> to vector<32x1xi32>
    %broadcast_in_dim3A_218 = vector.broadcast %broadcast_in_dim3A_217 : vector<32x1xi32> to vector<32x32xi32>
    %slice3A_219 = vector.extract_strided_slice %get3A_215 {offsets = [32, 0], sizes = [32, 1], strides = [1, 1]} : vector<64x1xi32> to vector<32x1xi32>
    %broadcast_in_dim3A_220 = vector.shape_cast %slice3A_219 : vector<32x1xi32> to vector<32x1xi32>
    %broadcast_in_dim3A_221 = vector.broadcast %broadcast_in_dim3A_220 : vector<32x1xi32> to vector<32x32xi32>
    %concatenate3A_222 = tpu.concatenate %broadcast_in_dim3A_218, %broadcast_in_dim3A_221 in 1 : vector<32x32xi32>, vector<32x32xi32> -> vector<32x64xi32>
    %iota3A_223 = tpu.iota {dimensions = array<i32: 1>} : vector<32x64xi32>
    %jit3A_224 = arith.constant 32 : i32
    %eq3A_225 = arith.constant 0 : i32
    %eq3A_226 = arith.cmpi eq, %jit3A_224, %eq3A_225 : i32
    %jit3A_227 = arith.constant 1 : i32
    %select_n3A_228 = arith.select %eq3A_226, %jit3A_227, %jit3A_224 : i32
    %rem3A_229 = vector.broadcast %select_n3A_228 : i32 to vector<32x64xi32>
    %rem3A_230 = arith.remsi %iota3A_223, %rem3A_229 : vector<32x64xi32>
    %ne3A_231 = arith.constant 0 : i32
    %ne3A_232 = vector.broadcast %ne3A_231 : i32 to vector<32x64xi32>
    %ne3A_233 = arith.cmpi ne, %rem3A_230, %ne3A_232 : vector<32x64xi32>
    %lt3A_234 = arith.constant 0 : i32
    %lt3A_235 = vector.broadcast %lt3A_234 : i32 to vector<32x64xi32>
    %lt3A_236 = arith.cmpi slt, %rem3A_230, %lt3A_235 : vector<32x64xi32>
    %lt3A_237 = arith.constant 0 : i32
    %lt3A_238 = arith.cmpi slt, %select_n3A_228, %lt3A_237 : i32
    %ne3A_239 = vector.broadcast %lt3A_238 : i1 to vector<32x64xi1>
    %ne3A_240 = vector.broadcast %ne3A_239 : vector<32x64xi1> to vector<32x64xi1>
    %ne3A_241 = arith.xori %lt3A_236, %ne3A_240 : vector<32x64xi1>
    %and3A_242 = arith.andi %ne3A_241, %ne3A_233 : vector<32x64xi1>
    %add3A_243 = vector.broadcast %select_n3A_228 : i32 to vector<32x64xi32>
    %add3A_244 = arith.addi %rem3A_230, %add3A_243 : vector<32x64xi32>
    %select_n3A_245 = arith.select %and3A_242, %add3A_244, %rem3A_230 : vector<32x64xi1>, vector<32x64xi32>
    %eq3A_246 = arith.cmpi eq, %concatenate3A_222, %select_n3A_245 : vector<32x64xi32>
    %convert_element_type3A_247 = arith.extui %eq3A_246 : vector<32x64xi1> to vector<32x64xi32>
    %convert_element_type3A_248 = arith.sitofp %convert_element_type3A_247 : vector<32x64xi32> to vector<32x64xf32>
    %convert_element_type3A_249 = arith.truncf %convert_element_type3A_248 : vector<32x64xf32> to vector<32x64xbf16>
    %get3A_250 = arith.constant 0 : index
    %get3A_251 = arith.constant 0 : index
    %get3A_252 = vector.load %arg6[%get3A_250, %get3A_251] : memref<64x128xbf16, #tpu.memory_space<vmem>>, vector<64x128xbf16>
    %dot_general3A_253 = arith.constant dense<0.000000e+00> : vector<32x128xf32>
    %dot_general3A_254 = tpu.matmul %convert_element_type3A_249, %get3A_252, %dot_general3A_253 {dimension_numbers = #tpu.dot_dimension_numbers<[1], [0], [0], [1], [0, 0, 1, 1], [], []>, transpose_lhs_hint = false} : vector<32x64xbf16>, vector<64x128xbf16>, vector<32x128xf32> -> vector<32x128xf32>
    %convert_element_type3A_255 = arith.truncf %dot_general3A_254 : vector<32x128xf32> to vector<32x128xbf16>
    %get3A_256 = arith.constant 2 : index
    %get3A_257 = arith.constant 0 : index
    %get3A_258 = arith.constant 0 : index
    %get3A_259 = vector.load %arg13[%get3A_256, %get3A_257, %get3A_258] : memref<4x2048x128xbf16, #tpu.memory_space<vmem>>, vector<1x2048x128xbf16>
    %get3A_260 = vector.shape_cast %get3A_259 : vector<1x2048x128xbf16> to vector<2048x128xbf16>
    %reshape3A_261 = vector.shape_cast %get3A_260 : vector<2048x128xbf16> to vector<64x32x128xbf16>
    %broadcast_in_dim3A_262 = vector.shape_cast %convert_element_type3A_25 : vector<64x128xbf16> to vector<64x1x128xbf16>
    %add3A_263 = vector.broadcast %broadcast_in_dim3A_262 : vector<64x1x128xbf16> to vector<64x32x128xbf16>
    %add3A_264 = arith.addf %reshape3A_261, %add3A_263 : vector<64x32x128xbf16>
    %broadcast_in_dim3A_265 = vector.shape_cast %convert_element_type3A_255 : vector<32x128xbf16> to vector<1x32x128xbf16>
    %add3A_266 = vector.broadcast %broadcast_in_dim3A_265 : vector<1x32x128xbf16> to vector<64x32x128xbf16>
    %add3A_267 = arith.addf %add3A_264, %add3A_266 : vector<64x32x128xbf16>
    %reshape3A_268 = vector.shape_cast %add3A_267 : vector<64x32x128xbf16> to vector<2048x128xbf16>
    %get3A_269 = arith.constant 0 : index
    %get3A_270 = arith.constant 0 : index
    %get3A_271 = vector.load %arg12[%get3A_269, %get3A_270] : memref<128x128xbf16, #tpu.memory_space<vmem>>, vector<128x128xbf16>
    %dot_general3A_272 = arith.constant dense<0.000000e+00> : vector<2048x128xf32>
    %dot_general3A_273 = tpu.matmul %reshape3A_268, %get3A_271, %dot_general3A_272 {dimension_numbers = #tpu.dot_dimension_numbers<[1], [0], [0], [1], [0, 0, 1, 1], [], []>, transpose_lhs_hint = false} : vector<2048x128xbf16>, vector<128x128xbf16>, vector<2048x128xf32> -> vector<2048x128xf32>
    %mul3A_274 = arith.mulf %reshape3A_268, %reshape3A_268 : vector<2048x128xbf16>
    %get3A_275 = arith.constant 0 : index
    %get3A_276 = arith.constant 0 : index
    %get3A_277 = vector.load %arg12[%get3A_275, %get3A_276] : memref<128x128xbf16, #tpu.memory_space<vmem>>, vector<128x128xbf16>
    %dot_general3A_278 = arith.constant dense<0.000000e+00> : vector<2048x128xf32>
    %dot_general3A_279 = tpu.matmul %mul3A_274, %get3A_277, %dot_general3A_278 {dimension_numbers = #tpu.dot_dimension_numbers<[1], [0], [0], [1], [0, 0, 1, 1], [], []>, transpose_lhs_hint = false} : vector<2048x128xbf16>, vector<128x128xbf16>, vector<2048x128xf32> -> vector<2048x128xf32>
    %mul3A_280 = arith.mulf %dot_general3A_273, %dot_general3A_273 : vector<2048x128xf32>
    %sub3A_281 = arith.subf %dot_general3A_279, %mul3A_280 : vector<2048x128xf32>
    %add3A_282 = arith.constant 9.99999974E-6 : f32
    %add3A_283 = vector.broadcast %add3A_282 : f32 to vector<2048x128xf32>
    %add3A_284 = arith.addf %sub3A_281, %add3A_283 : vector<2048x128xf32>
    %rsqrt3A_285 = math.rsqrt %add3A_284 : vector<2048x128xf32>
    %get3A_286 = arith.constant 0 : index
    %get3A_287 = arith.constant 0 : index
    %get3A_288 = vector.load %arg8[%get3A_286, %get3A_287] : memref<1x128xf32, #tpu.memory_space<vmem>>, vector<1x128xf32>
    %get3A_289 = vector.shape_cast %get3A_288 : vector<1x128xf32> to vector<128xf32>
    %broadcast_in_dim3A_290 = vector.shape_cast %get3A_289 : vector<128xf32> to vector<1x128xf32>
    %mul3A_291 = vector.broadcast %broadcast_in_dim3A_290 : vector<1x128xf32> to vector<2048x128xf32>
    %mul3A_292 = arith.mulf %rsqrt3A_285, %mul3A_291 : vector<2048x128xf32>
    %convert_element_type3A_293 = arith.truncf %mul3A_292 : vector<2048x128xf32> to vector<2048x128xbf16>
    %get3A_294 = arith.constant 0 : index
    %get3A_295 = arith.constant 0 : index
    %get3A_296 = vector.load %arg9[%get3A_294, %get3A_295] : memref<1x128xf32, #tpu.memory_space<vmem>>, vector<1x128xf32>
    %get3A_297 = vector.shape_cast %get3A_296 : vector<1x128xf32> to vector<128xf32>
    %mul3A_298 = arith.mulf %dot_general3A_273, %mul3A_292 : vector<2048x128xf32>
    %broadcast_in_dim3A_299 = vector.shape_cast %get3A_297 : vector<128xf32> to vector<1x128xf32>
    %sub3A_300 = vector.broadcast %broadcast_in_dim3A_299 : vector<1x128xf32> to vector<2048x128xf32>
    %sub3A_301 = arith.subf %sub3A_300, %mul3A_298 : vector<2048x128xf32>
    %convert_element_type3A_302 = arith.truncf %sub3A_301 : vector<2048x128xf32> to vector<2048x128xbf16>
    %mul3A_303 = arith.mulf %reshape3A_268, %convert_element_type3A_293 : vector<2048x128xbf16>
    %add3A_304 = arith.addf %mul3A_303, %convert_element_type3A_302 : vector<2048x128xbf16>
    %slice3A_305 = vector.extract_strided_slice %add3A_304 {offsets = [0, 0], sizes = [2048, 64], strides = [1, 1]} : vector<2048x128xbf16> to vector<2048x64xbf16>
    %reshape3A_306 = vector.shape_cast %slice3A_305 : vector<2048x64xbf16> to vector<64x32x64xbf16>
    %slice3A_307 = vector.extract_strided_slice %add3A_304 {offsets = [0, 64], sizes = [2048, 64], strides = [1, 1]} : vector<2048x128xbf16> to vector<2048x64xbf16>
    %reshape3A_308 = vector.shape_cast %slice3A_307 : vector<2048x64xbf16> to vector<64x32x64xbf16>
    %concatenate3A_309 = tpu.concatenate %reshape3A_306, %reshape3A_308 in 1 : vector<64x32x64xbf16>, vector<64x32x64xbf16> -> vector<64x64x64xbf16>
    %get3A_310 = arith.constant 0 : index
    %get3A_311 = arith.constant 192 : index
    %get3A_312 = arith.constant 0 : index
    %get3A_313 = vector.load %arg4[%get3A_310, %get3A_311, %get3A_312] : memref<1x256x1xi32, #tpu.memory_space<vmem>>, vector<1x64x1xi32>
    %get3A_314 = vector.shape_cast %get3A_313 : vector<1x64x1xi32> to vector<64x1xi32>
    %slice3A_315 = vector.extract_strided_slice %get3A_314 {offsets = [0, 0], sizes = [32, 1], strides = [1, 1]} : vector<64x1xi32> to vector<32x1xi32>
    %broadcast_in_dim3A_316 = vector.shape_cast %slice3A_315 : vector<32x1xi32> to vector<32x1xi32>
    %broadcast_in_dim3A_317 = vector.broadcast %broadcast_in_dim3A_316 : vector<32x1xi32> to vector<32x32xi32>
    %slice3A_318 = vector.extract_strided_slice %get3A_314 {offsets = [32, 0], sizes = [32, 1], strides = [1, 1]} : vector<64x1xi32> to vector<32x1xi32>
    %broadcast_in_dim3A_319 = vector.shape_cast %slice3A_318 : vector<32x1xi32> to vector<32x1xi32>
    %broadcast_in_dim3A_320 = vector.broadcast %broadcast_in_dim3A_319 : vector<32x1xi32> to vector<32x32xi32>
    %concatenate3A_321 = tpu.concatenate %broadcast_in_dim3A_317, %broadcast_in_dim3A_320 in 1 : vector<32x32xi32>, vector<32x32xi32> -> vector<32x64xi32>
    %iota3A_322 = tpu.iota {dimensions = array<i32: 1>} : vector<32x64xi32>
    %jit3A_323 = arith.constant 32 : i32
    %eq3A_324 = arith.constant 0 : i32
    %eq3A_325 = arith.cmpi eq, %jit3A_323, %eq3A_324 : i32
    %jit3A_326 = arith.constant 1 : i32
    %select_n3A_327 = arith.select %eq3A_325, %jit3A_326, %jit3A_323 : i32
    %rem3A_328 = vector.broadcast %select_n3A_327 : i32 to vector<32x64xi32>
    %rem3A_329 = arith.remsi %iota3A_322, %rem3A_328 : vector<32x64xi32>
    %ne3A_330 = arith.constant 0 : i32
    %ne3A_331 = vector.broadcast %ne3A_330 : i32 to vector<32x64xi32>
    %ne3A_332 = arith.cmpi ne, %rem3A_329, %ne3A_331 : vector<32x64xi32>
    %lt3A_333 = arith.constant 0 : i32
    %lt3A_334 = vector.broadcast %lt3A_333 : i32 to vector<32x64xi32>
    %lt3A_335 = arith.cmpi slt, %rem3A_329, %lt3A_334 : vector<32x64xi32>
    %lt3A_336 = arith.constant 0 : i32
    %lt3A_337 = arith.cmpi slt, %select_n3A_327, %lt3A_336 : i32
    %ne3A_338 = vector.broadcast %lt3A_337 : i1 to vector<32x64xi1>
    %ne3A_339 = vector.broadcast %ne3A_338 : vector<32x64xi1> to vector<32x64xi1>
    %ne3A_340 = arith.xori %lt3A_335, %ne3A_339 : vector<32x64xi1>
    %and3A_341 = arith.andi %ne3A_340, %ne3A_332 : vector<32x64xi1>
    %add3A_342 = vector.broadcast %select_n3A_327 : i32 to vector<32x64xi32>
    %add3A_343 = arith.addi %rem3A_329, %add3A_342 : vector<32x64xi32>
    %select_n3A_344 = arith.select %and3A_341, %add3A_343, %rem3A_329 : vector<32x64xi1>, vector<32x64xi32>
    %eq3A_345 = arith.cmpi eq, %concatenate3A_321, %select_n3A_344 : vector<32x64xi32>
    %convert_element_type3A_346 = arith.extui %eq3A_345 : vector<32x64xi1> to vector<32x64xi32>
    %convert_element_type3A_347 = arith.sitofp %convert_element_type3A_346 : vector<32x64xi32> to vector<32x64xf32>
    %convert_element_type3A_348 = arith.truncf %convert_element_type3A_347 : vector<32x64xf32> to vector<32x64xbf16>
    %get3A_349 = arith.constant 0 : index
    %get3A_350 = arith.constant 0 : index
    %get3A_351 = vector.load %arg6[%get3A_349, %get3A_350] : memref<64x128xbf16, #tpu.memory_space<vmem>>, vector<64x128xbf16>
    %dot_general3A_352 = arith.constant dense<0.000000e+00> : vector<32x128xf32>
    %dot_general3A_353 = tpu.matmul %convert_element_type3A_348, %get3A_351, %dot_general3A_352 {dimension_numbers = #tpu.dot_dimension_numbers<[1], [0], [0], [1], [0, 0, 1, 1], [], []>, transpose_lhs_hint = false} : vector<32x64xbf16>, vector<64x128xbf16>, vector<32x128xf32> -> vector<32x128xf32>
    %convert_element_type3A_354 = arith.truncf %dot_general3A_353 : vector<32x128xf32> to vector<32x128xbf16>
    %get3A_355 = arith.constant 3 : index
    %get3A_356 = arith.constant 0 : index
    %get3A_357 = arith.constant 0 : index
    %get3A_358 = vector.load %arg13[%get3A_355, %get3A_356, %get3A_357] : memref<4x2048x128xbf16, #tpu.memory_space<vmem>>, vector<1x2048x128xbf16>
    %get3A_359 = vector.shape_cast %get3A_358 : vector<1x2048x128xbf16> to vector<2048x128xbf16>
    %reshape3A_360 = vector.shape_cast %get3A_359 : vector<2048x128xbf16> to vector<64x32x128xbf16>
    %broadcast_in_dim3A_361 = vector.shape_cast %convert_element_type3A_25 : vector<64x128xbf16> to vector<64x1x128xbf16>
    %add3A_362 = vector.broadcast %broadcast_in_dim3A_361 : vector<64x1x128xbf16> to vector<64x32x128xbf16>
    %add3A_363 = arith.addf %reshape3A_360, %add3A_362 : vector<64x32x128xbf16>
    %broadcast_in_dim3A_364 = vector.shape_cast %convert_element_type3A_354 : vector<32x128xbf16> to vector<1x32x128xbf16>
    %add3A_365 = vector.broadcast %broadcast_in_dim3A_364 : vector<1x32x128xbf16> to vector<64x32x128xbf16>
    %add3A_366 = arith.addf %add3A_363, %add3A_365 : vector<64x32x128xbf16>
    %reshape3A_367 = vector.shape_cast %add3A_366 : vector<64x32x128xbf16> to vector<2048x128xbf16>
    %get3A_368 = arith.constant 0 : index
    %get3A_369 = arith.constant 0 : index
    %get3A_370 = vector.load %arg12[%get3A_368, %get3A_369] : memref<128x128xbf16, #tpu.memory_space<vmem>>, vector<128x128xbf16>
    %dot_general3A_371 = arith.constant dense<0.000000e+00> : vector<2048x128xf32>
    %dot_general3A_372 = tpu.matmul %reshape3A_367, %get3A_370, %dot_general3A_371 {dimension_numbers = #tpu.dot_dimension_numbers<[1], [0], [0], [1], [0, 0, 1, 1], [], []>, transpose_lhs_hint = false} : vector<2048x128xbf16>, vector<128x128xbf16>, vector<2048x128xf32> -> vector<2048x128xf32>
    %mul3A_373 = arith.mulf %reshape3A_367, %reshape3A_367 : vector<2048x128xbf16>
    %get3A_374 = arith.constant 0 : index
    %get3A_375 = arith.constant 0 : index
    %get3A_376 = vector.load %arg12[%get3A_374, %get3A_375] : memref<128x128xbf16, #tpu.memory_space<vmem>>, vector<128x128xbf16>
    %dot_general3A_377 = arith.constant dense<0.000000e+00> : vector<2048x128xf32>
    %dot_general3A_378 = tpu.matmul %mul3A_373, %get3A_376, %dot_general3A_377 {dimension_numbers = #tpu.dot_dimension_numbers<[1], [0], [0], [1], [0, 0, 1, 1], [], []>, transpose_lhs_hint = false} : vector<2048x128xbf16>, vector<128x128xbf16>, vector<2048x128xf32> -> vector<2048x128xf32>
    %mul3A_379 = arith.mulf %dot_general3A_372, %dot_general3A_372 : vector<2048x128xf32>
    %sub3A_380 = arith.subf %dot_general3A_378, %mul3A_379 : vector<2048x128xf32>
    %add3A_381 = arith.constant 9.99999974E-6 : f32
    %add3A_382 = vector.broadcast %add3A_381 : f32 to vector<2048x128xf32>
    %add3A_383 = arith.addf %sub3A_380, %add3A_382 : vector<2048x128xf32>
    %rsqrt3A_384 = math.rsqrt %add3A_383 : vector<2048x128xf32>
    %get3A_385 = arith.constant 0 : index
    %get3A_386 = arith.constant 0 : index
    %get3A_387 = vector.load %arg8[%get3A_385, %get3A_386] : memref<1x128xf32, #tpu.memory_space<vmem>>, vector<1x128xf32>
    %get3A_388 = vector.shape_cast %get3A_387 : vector<1x128xf32> to vector<128xf32>
    %broadcast_in_dim3A_389 = vector.shape_cast %get3A_388 : vector<128xf32> to vector<1x128xf32>
    %mul3A_390 = vector.broadcast %broadcast_in_dim3A_389 : vector<1x128xf32> to vector<2048x128xf32>
    %mul3A_391 = arith.mulf %rsqrt3A_384, %mul3A_390 : vector<2048x128xf32>
    %convert_element_type3A_392 = arith.truncf %mul3A_391 : vector<2048x128xf32> to vector<2048x128xbf16>
    %get3A_393 = arith.constant 0 : index
    %get3A_394 = arith.constant 0 : index
    %get3A_395 = vector.load %arg9[%get3A_393, %get3A_394] : memref<1x128xf32, #tpu.memory_space<vmem>>, vector<1x128xf32>
    %get3A_396 = vector.shape_cast %get3A_395 : vector<1x128xf32> to vector<128xf32>
    %mul3A_397 = arith.mulf %dot_general3A_372, %mul3A_391 : vector<2048x128xf32>
    %broadcast_in_dim3A_398 = vector.shape_cast %get3A_396 : vector<128xf32> to vector<1x128xf32>
    %sub3A_399 = vector.broadcast %broadcast_in_dim3A_398 : vector<1x128xf32> to vector<2048x128xf32>
    %sub3A_400 = arith.subf %sub3A_399, %mul3A_397 : vector<2048x128xf32>
    %convert_element_type3A_401 = arith.truncf %sub3A_400 : vector<2048x128xf32> to vector<2048x128xbf16>
    %mul3A_402 = arith.mulf %reshape3A_367, %convert_element_type3A_392 : vector<2048x128xbf16>
    %add3A_403 = arith.addf %mul3A_402, %convert_element_type3A_401 : vector<2048x128xbf16>
    %slice3A_404 = vector.extract_strided_slice %add3A_403 {offsets = [0, 0], sizes = [2048, 64], strides = [1, 1]} : vector<2048x128xbf16> to vector<2048x64xbf16>
    %reshape3A_405 = vector.shape_cast %slice3A_404 : vector<2048x64xbf16> to vector<64x32x64xbf16>
    %slice3A_406 = vector.extract_strided_slice %add3A_403 {offsets = [0, 64], sizes = [2048, 64], strides = [1, 1]} : vector<2048x128xbf16> to vector<2048x64xbf16>
    %reshape3A_407 = vector.shape_cast %slice3A_406 : vector<2048x64xbf16> to vector<64x32x64xbf16>
    %concatenate3A_408 = tpu.concatenate %reshape3A_405, %reshape3A_407 in 1 : vector<64x32x64xbf16>, vector<64x32x64xbf16> -> vector<64x64x64xbf16>
    %concatenate3A_409 = tpu.concatenate %concatenate3A_111, %concatenate3A_210, %concatenate3A_309, %concatenate3A_408 in 1 : vector<64x64x64xbf16>, vector<64x64x64xbf16>, vector<64x64x64xbf16>, vector<64x64x64xbf16> -> vector<64x256x64xbf16>
    %get3A_410 = arith.constant 0 : index
    %get3A_411 = arith.constant 0 : index
    %get3A_412 = vector.load %arg14[%get3A_410, %get3A_411] : memref<256x256xbf16, #tpu.memory_space<vmem>>, vector<256x256xbf16>
    %dot_general3A_413 = arith.constant dense<0.000000e+00> : vector<64x64x256xf32>
    %dot_general3A_414 = tpu.matmul %concatenate3A_409, %get3A_412, %dot_general3A_413 {dimension_numbers = #tpu.dot_dimension_numbers<[1], [0], [0, 2], [1], [0, 0, 0, 2, 1, 1], [], []>, transpose_lhs_hint = false} : vector<64x256x64xbf16>, vector<256x256xbf16>, vector<64x64x256xf32> -> vector<64x64x256xf32>
    %swap3A = arith.constant 0 : index
    %swap3A_415 = arith.constant 0 : index
    %swap3A_416 = arith.constant 0 : index
    %swap3A_417 = arith.constant 0 : index
    %swap3A_418 = vector.load %arg10[%swap3A, %swap3A_415, %swap3A_416, %swap3A_417] : memref<1x64x64x256xf32, #tpu.memory_space<vmem>>, vector<1x64x64x256xf32>
    %swap3A_419 = vector.shape_cast %swap3A_418 : vector<1x64x64x256xf32> to vector<64x64x256xf32>
    %swap3A_420 = vector.shape_cast %dot_general3A_414 : vector<64x64x256xf32> to vector<1x64x64x256xf32>
    tpu.vector_store %arg10[%swap3A, %swap3A_415, %swap3A_416, %swap3A_417], %swap3A_420 {strides = array<i32>} : memref<1x64x64x256xf32, #tpu.memory_space<vmem>>, vector<1x64x64x256xf32>,
    return
  }
  func.func @transform_0(%arg0: i32, %arg1: i32, %arg2: i32) -> (i32, i32, i32) {
    %c0_i32 = arith.constant 0 : i32
    %c0_i32_0 = arith.constant 0 : i32
    return %arg2, %arg0, %c0_i32 : i32, i32, i32
  }
  func.func @transform_1(%arg0: i32, %arg1: i32, %arg2: i32) -> (i32, i32, i32) {
    %c0_i32 = arith.constant 0 : i32
    %c0_i32_0 = arith.constant 0 : i32
    return %arg2, %arg1, %c0_i32 : i32, i32, i32
  }
  func.func @transform_2(%arg0: i32, %arg1: i32, %arg2: i32) -> (i32, i32) {
    %c0_i32 = arith.constant 0 : i32
    %c0_i32_0 = arith.constant 0 : i32
    %c0_i32_1 = arith.constant 0 : i32
    return %c0_i32, %c0_i32_0 : i32, i32
  }
  func.func @transform_3(%arg0: i32, %arg1: i32, %arg2: i32) -> (i32, i32) {
    %c0_i32 = arith.constant 0 : i32
    %c0_i32_0 = arith.constant 0 : i32
    %c0_i32_1 = arith.constant 0 : i32
    return %c0_i32, %c0_i32_0 : i32, i32
  }
  func.func @transform_4(%arg0: i32, %arg1: i32, %arg2: i32) -> (i32, i32) {
    %c0_i32 = arith.constant 0 : i32
    %c0_i32_0 = arith.constant 0 : i32
    %c0_i32_1 = arith.constant 0 : i32
    return %c0_i32, %c0_i32_0 : i32, i32
  }
  func.func @transform_5(%arg0: i32, %arg1: i32, %arg2: i32) -> (i32, i32) {
    %c0_i32 = arith.constant 0 : i32
    %c0_i32_0 = arith.constant 0 : i32
    %c0_i32_1 = arith.constant 0 : i32
    return %c0_i32, %c0_i32_0 : i32, i32
  }
  func.func @transform_6(%arg0: i32, %arg1: i32, %arg2: i32) -> (i32, i32) {
    %c0_i32 = arith.constant 0 : i32
    %c0_i32_0 = arith.constant 0 : i32
    %c0_i32_1 = arith.constant 0 : i32
    return %c0_i32, %c0_i32_0 : i32, i32
  }
  func.func @transform_7(%arg0: i32, %arg1: i32, %arg2: i32) -> (i32, i32, i32, i32) {
    %c0_i32 = arith.constant 0 : i32
    %c0_i32_0 = arith.constant 0 : i32
    return %arg2, %arg0, %c0_i32, %arg1 : i32, i32, i32, i32
  }
}

</mosaic_0001>

<sc_bundles>
// kernel: kernel.4.cloned.1.call-start
scs
__scs_entry_jumppad:
0x0: {  	(pc) =	sbr.rel $0x88, $3  }
0x1: {  	(tag) =	ssettag $0x0;
	lr =	simm.s32 $0x1  }
0x2: {  	[smem:$0x3F97] =	sst lr;
	_ =	strace $0xD0000000  }
0x3: {  	_ = 	snop  }
0x4: {  	_ = 	snop  }
0x5: {  	_ = 	snop  }
0x6: {  	_ = 	snop  }
0x7: {  	_ = 	snop  }
__scs_overlays_trampoline_lowered:
0x8: {  	[smem:$0x3FA6] =	sst s0  }
0x9: {  	[smem:$0x3FA7] =	sst s1  }
0xa: {  	[smem:$0x3FA8] =	sst s2  }
0xb: {  	[smem:$0x3FA9] =	sst s3  }
0xc: {  	[smem:$0x3FAA] =	sst s4  }
0xd: {  	[smem:$0x3FAB] =	sst s5  }
0xe: {  	[smem:$0x3FAC] =	sst s6  }
0xf: {  	[smem:$0x3FAD] =	sst s7  }
0x10: {  	[smem:$0x3FAE] =	sst s8  }
0x11: {  	[smem:$0x3FAF] =	sst s9;
	s0 =	simm.s32 @!p0 $0x0  }
0x12: {  	s1 =	sld [smem:$0x3F95];
	s0 =	simm.s32 @p0 $0x1  }
0x13: {  	[smem:$0x3FB0] =	sst s0;
	s0 =	simm.s32 @!p1 $0x0  }
0x14: {  	s2 =	sld [smem:$0x3F94];
	s0 =	simm.s32 @p1 $0x1  }
0x15: {  	[smem:$0x3FB1] =	sst s0;
	s0 =	simm.s32 @!p2 $0x0  }
0x16: {  	s3 =	sld [smem:$0x3FDB];
	s0 =	simm.s32 @p2 $0x1  }
0x17: {  	s4 =	simm.s32 $0x1BF5;
	[smem:$0x3FB3] =	sst s0  }
0x18: {  	s0 =	sld [smem:$0x3F96];
	_ =	swait.ge [sflag:s4], $0x0  }
0x19: {  	s7 =	sld [smem:$0x3F97]  }
0x1a: {  	s8 =	sadd.s32 $0xFFFFE003, lr  }
0x1b: {  	s9 =	sadd.s32 $0xFFFFFEF7, lr;
	s5 =	simm.s32 $0xFFFFFFFF;
	p2 =	slt.u32 s8, $0xFFFFF086  }
0x1c: {  	p1 =	slt.u32 s9, $0xF7A;
	s5 =	simm.s32 @!p2 $0x0  }
0x1d: {  	s5 =	simm.s32 @p1 $0x1;
	p0 =	seq.s32 s7, s2  }
0x1e: {  	s7 =	smul.u32 @!p0 $0xF7A, s2;
	p2 =	seq.s32 @!p0 s5, $0x0  }
0x1f: {  	s9 =	smul.u32 $0xF7A, s1;
	s8 =	simm.s32 @!p0 $0x1BF5;
	p2 =	por !p2, p0  }
0x20: {  	[sflag:s8] =	ssyncset.s32 @!p0 $0xFFFFF086;
	s6 =	sadd.s32 @!p0 s3, s7;
	s7 =	simm.s32 @!p0 $0x108  }
0x21: {  	s3 =	sadd.s32 s3, s9;
	s6 =	sadd.s32 @!p0 $0x88, s6;
	s7 =	simm.s32 @p2 $0x1082  }
0x22: {  	[simem:s7], [sflag:s8] =	dma.local @!p0 [hbm:s6], $0xF7A  }
0x23: {  	s9 =	sor.u32 $0xD0000000, s2;
	s6 =	simm.s32 $0x108;
	_ =	swait.ge @!p0 [sflag:s8], $0x0  }
0x24: {  	s3 =	sadd.s32 $0x88, s3;
	s6 =	simm.s32 @!p1 $0x1082;
	[sflag:s4] =	ssyncset.s32 $0xFFFFF086  }
0x25: {  	[simem:s6], [sflag:s4] =	dma.local [hbm:s3], $0xF7A  }
0x26: {  	[smem:$0x3F97] =	sst s1;
	(tag) =	ssettag s2;
	_ =	strace s9  }
0x27: {  	s1 =	sld [smem:$0x3FA7]  }
0x28: {  	s2 =	sld [smem:$0x3FA8]  }
0x29: {  	s4 =	sld [smem:$0x3FAA]  }
0x2a: {  	p0 =	seq.s32 s5, $0x0;
	s5 =	sld [smem:$0x3FAB]  }
0x2b: {  	s6 =	sld [smem:$0x3FAC]  }
0x2c: {  	s7 =	sld [smem:$0x3FAD]  }
0x2d: {  	s3 =	simm.s32 $0x108;
	s8 =	sld [smem:$0x3FAE]  }
0x2e: {  	s3 =	simm.s32 @!p0 $0x1082;
	s9 =	sld [smem:$0x3FAF]  }
0x2f: {  	lr =	sadd.s32 s0, s3;
	s0 =	sld [smem:$0x3FA6]  }
0x30: {  	s3 =	sld [smem:$0x3FA9]  }
0x31: {  	[smem:$0x3FB2] =	sst s10  }
0x32: {  	s10 =	sld [smem:$0x3FB0];
	_ =	sdelay $0x3  }
0x33: {  	p0 =	seq.s32 s10, $0x1;
	s10 =	sld [smem:$0x3FB2];
	_ =	sdelay $0x3  }
0x34: {  	[smem:$0x3FB2] =	sst s10  }
0x35: {  	s10 =	sld [smem:$0x3FB1];
	_ =	sdelay $0x3  }
0x36: {  	p1 =	seq.s32 s10, $0x1;
	s10 =	sld [smem:$0x3FB2];
	_ =	sdelay $0x3  }
0x37: {  	[smem:$0x3FB2] =	sst s10  }
0x38: {  	s10 =	sld [smem:$0x3FB3]  }
0x39: {  	_ = 	snop;
	(pc) =	sbr.ind lr, $3  }
0x3a: {  	_ = 	snop  }
0x3b: {  	_ = 	snop  }
0x3c: {  	p2 =	seq.s32 s10, $0x1;
	s10 =	sld [smem:$0x3FB2]  }
0x3d: {  	_ =	shalt  }
0x3e: {  	_ =	shalt  }
0x3f: {  	_ =	shalt  }
0x40: {  	_ =	shalt  }
0x41: {  	_ =	shalt  }
0x42: {  	_ =	shalt  }
0x43: {  	_ =	shalt  }
0x44: {  	_ =	shalt  }
0x45: {  	_ =	shalt  }
0x46: {  	_ =	shalt  }
0x47: {  	_ =	shalt  }
0x48: {  	_ =	shalt  }
0x49: {  	_ =	shalt  }
0x4a: {  	_ =	shalt  }
0x4b: {  	_ =	shalt  }
0x4c: {  	_ =	shalt  }
0x4d: {  	_ =	shalt  }
0x4e: {  	_ =	shalt  }
0x4f: {  	_ =	shalt  }
0x50: {  	_ =	shalt  }
0x51: {  	_ =	shalt  }
0x52: {  	_ =	shalt  }
0x53: {  	_ =	shalt  }
0x54: {  	_ =	shalt  }
0x55: {  	_ =	shalt  }
0x56: {  	_ =	shalt  }
0x57: {  	_ =	shalt  }
0x58: {  	_ =	shalt  }
0x59: {  	_ =	shalt  }
0x5a: {  	_ =	shalt  }
0x5b: {  	_ =	shalt  }
0x5c: {  	_ =	shalt  }
0x5d: {  	_ =	shalt  }
0x5e: {  	_ =	shalt  }
0x5f: {  	_ =	shalt  }
0x60: {  	_ =	shalt  }
0x61: {  	_ =	shalt  }
0x62: {  	_ =	shalt  }
0x63: {  	_ =	shalt  }
0x64: {  	_ =	shalt  }
0x65: {  	_ =	shalt  }
0x66: {  	_ =	shalt  }
0x67: {  	_ =	shalt  }
0x68: {  	_ =	shalt  }
0x69: {  	_ =	shalt  }
0x6a: {  	_ =	shalt  }
0x6b: {  	_ =	shalt  }
0x6c: {  	_ =	shalt  }
0x6d: {  	_ =	shalt  }
0x6e: {  	_ =	shalt  }
0x6f: {  	_ =	shalt  }
0x70: {  	_ =	shalt  }
0x71: {  	_ =	shalt  }
0x72: {  	_ =	shalt  }
0x73: {  	_ =	shalt  }
0x74: {  	_ =	shalt  }
0x75: {  	_ =	shalt  }
0x76: {  	_ =	shalt  }
0x77: {  	_ =	shalt  }
0x78: {  	_ =	shalt  }
0x79: {  	_ =	shalt  }
0x7a: {  	_ =	shalt  }
0x7b: {  	_ =	shalt  }
0x7c: {  	_ =	shalt  }
0x7d: {  	_ =	shalt  }
0x7e: {  	_ =	shalt  }
0x7f: {  	_ =	shalt  }
0x80: {  	_ =	shalt  }
0x81: {  	_ =	shalt  }
0x82: {  	_ =	shalt  }
0x83: {  	_ =	shalt  }
0x84: {  	_ =	shalt  }
0x85: {  	_ =	shalt  }
0x86: {  	_ =	shalt  }
0x87: {  	_ =	shalt  }
.Lfunc_end0:
.L_simem_size_0:
called_computation_lowered:
.L_overlay_start_0:
0x88: {  	s2 =	sld [smem:$0x3FD9]  }
0x89: {  	s3 =	sld [smem:$0x3FFE];
	_ =	sdelay $0x1  }
0x8a: {  	s1 =	srdreg.scid  }
0x8b: {  	s0 =	sand.u32 $0x1, s1  }
0x8c: {  	s14 =	sshll.u32 s0, $0xA;
	s2 =	sadd.s32 s3, s2  }
0x8d: {  	s2 =	sadd.s32 s2, s14  }
0x8e: {  	[smem:$0x3FBE] =	sst s2  }
0x8f: {  	_ = 	snop  }
0x90: {  	s2 =	sld [smem:$0x3FC8]  }
0x91: {  	s15 =	sld [smem:$0x3FD0]  }
0x92: {  	s4 =	sld [smem:$0x3FC7]  }
0x93: {  	s5 =	sld [smem:$0x3FC3]  }
0x94: {  	s7 =	simm.s32 $0xA;
	s8 =	simm.s32 $0x10;
	s6 =	sld [smem:$0x3FC2]  }
0x95: {  	[smem:s8], [sflag:s7] =	dma.local [hbm:s15], $0x1  }
0x96: {  	_ =	swait.eq [sflag:s7], $0x1  }
0x97: {  	[sflag:s7] =	ssyncset.done $0x0  }
0x98: {  	[sflag:s7] =	ssyncadd.s32 $0xFFFFFFFF  }
0x99: {  	s16 =	sld [smem:$0x10];
	(tm) =	ssettm $0x1  }
0x9a: {  	s17 =	sld [smem:$0x3FFB];
	_ =	sdelay $0x3  }
0x9b: {  	_ =	strace s17  }
0x9c: {  	s7 =	sld [smem:$0x3FFC];
	_ =	sdelay $0x3  }
0x9d: {  	_ =	strace s7  }
0x9e: {  	s7 =	sld [smem:$0x3FFD];
	_ =	sdelay $0x3  }
0x9f: {  	_ =	strace s7  }
0xa0: {  	_ =	strace $0x8FFFFFFF  }
0xa1: {  	s18 =	sld [smem:$0x3FDB];
	_ =	sdelay $0x1  }
0xa2: {  	s19 =	simm.s32 $_scs_section_size  }
0xa3: {  	s9 =	simm.s32 $_size__tile_overlayer_lowered;
	s10 =	simm.s32 $_tile_overlayer_lowered  }
0xa4: {  	s22 =	simm.s32 $0x1BFF;
	s21 =	sshll.u32 s10, $0x1;
	s7 =	sadd.s32 s19, s18  }
0xa5: {  	s11 =	simm.s32 $0x0;
	s20 =	sshll.u32 s9, $0x1;
	s9 =	sadd.s32 s21, s7  }
0xa6: {  	[timem:s11], [sflag:s22] =	dma.local [hbm:s9], s20  }
0xa7: {  	_ =	swait.ge [sflag:s22], s20  }
0xa8: {  	s8 =	ssub.s32 $0x0, s20;
	[sflag:s22] =	ssyncset.done $0x0  }
0xa9: {  	[sflag:s22] =	ssyncadd.s32 s8;
	_ =	sdelay $0x1  }
0xaa: {  	s23 =	simm.s32 $0x1B8B  }
0xab: {  	_ =	swait.ge [sflag:s23], $0x1  }
0xac: {  	[sflag:s23] =	ssyncset.done $0x0  }
0xad: {  	s25 =	simm.s32 $0x1B8E;
	s24 =	sld [smem:$0x3FFE];
	[sflag:s23] =	ssyncadd.s32 $0xFFFFFFFF  }
0xae: {  	s26 =	simm.s32 $execute0_lowered;
	[smem:$0x3FD2] =	sst s25  }
0xaf: {  	s9 =	sshll.u32 s26, $0x1;
	_ =	strace $0x80000046;
	[dreg:$0x1] =	wrdreg $0xFFFFFFFF  }
0xb0: {  	s28 =	simm.s32 $_size_execute0_lowered;
	s7 =	sadd.s32 s7, s9;
	[dreg:$0x0] =	wrdreg $0x0  }
0xb1: {  	s9 =	sshll.u32 s28, $0x1;
	[dreg:$0x2] =	wrdreg s7  }
0xb2: {  	[dreg:$0x3] =	wrdreg s9  }
0xb3: {  	[dreg:$0x4] =	wrdreg $0xC0  }
0xb4: {  	_ =	task [dreg:s11], $0x5FFFF  }
0xb5: {  	[dreg:$0x1] =	wrdreg $0xFFFFFFFF  }
0xb6: {  	[dreg:$0x0] =	wrdreg $0x60  }
0xb7: {  	[dreg:$0x2] =	wrdreg s24  }
0xb8: {  	[dreg:$0x3] =	wrdreg s2  }
0xb9: {  	[dreg:$0x4] =	wrdreg s4  }
0xba: {  	[dreg:$0x5] =	wrdreg s5  }
0xbb: {  	[dreg:$0x6] =	wrdreg s6  }
0xbc: {  	[dreg:$0x7] =	wrdreg s16  }
0xbd: {  	[dreg:$0x8] =	wrdreg $0x9  }
0xbe: {  	_ =	task.clear_ibuf [dreg:s11], $0x9FFFF;
	_ =	strace $0x90000046  }
0xbf: {  	s29 =	simm.s32 $0x9;
	_ =	strace $0x80000048  }
0xc0: {  	_ =	swait.ge [sflag:s29], $0x1  }
0xc1: {  	[sflag:s29] =	ssyncadd.s32 $0xFFFFFFFF  }
0xc2: {  	_ =	strace $0x90000048  }
0xc3: {  	_ =	sfence  }
0xc4: {  	s30 =	sld [smem:$0x0];
	_ =	sdelay $0x2  }
0xc5: {  	s31 =	sshll.u32 s1, $0xD;
	s1 =	sshrl.u32 s1, $0x2  }
0xc6: {  	s3 =	sand.u32 $0x4000, s31;
	s1 =	sadd.s32 s1, s30  }
0xc7: {  	s0 =	sor.u32 s3, s0;
	s1 =	sshll.u32 s1, $0x11  }
0xc8: {  	s0 =	sor.u32 s1, s0  }
0xc9: {  	s0 =	sadd.s32 $0x8F2B, s0  }
0xca: {  	[sflag:s0] =	ssyncadd.remote.s32 $0x1  }
0xcb: {  	_ =	sfence.sel $0xFFFF  }
0xcc: {  	[dreg:$0x0] =	wrdreg $0xFFFFFFFF;
	(pc) =	sbr.abs _section_cstart, $3  }
0xcd: {  	[dreg:$0x1] =	wrdreg $0xFFFFFFFF  }
0xce: {  	_ =	task.clear_ibuf [dreg:s11], $0x2FFFF;
	_ =	strace $0x9FFFFFFF  }
0xcf: {  	(tm) =	ssettm $0x7FFFFFFF  }
tec
execute0_lowered:
.L_overlay_start_1:
0x0: {  	(tag) =	ssettag $0x1  }
0x1: {  	s1 =	rddreg [dreg:$0x0]  }
0x2: {  	s0 =	rddreg [dreg:$0x1];
	v0 =	vimm.s32 $0xBA98FEDC;
	v1 =	vimm.s32 $0x32107654  }
0x3: {  	s2 =	rddreg [dreg:$0x2];
	s3 =	srdreg.scid;
	v0 =	vunpack.c.l.s4.s8 v0;
	v1 =	vunpack.c.l.s4.s8 v1  }
0x4: {  	s5 =	stileid.u32;
	s9 =	rddreg [dreg:$0x5];
	v3 =	vimm.s32 $0x76543210;
	v4 =	vimm.s32 $0xDCFE98BA  }
0x5: {  	v6 =	vimm.s32 $0x67452301;
	s11 =	simm.s32 $0x2;
	s12 =	simm.s32 $0x80;
	s13 =	simm.s32 $0x880;
	v0 =	vunpack.c.0.s8.s32 v0;
	v1 =	vunpack.c.0.s8.s32 v1  }
0x6: {  	v2 =	vlaneseq.u32;
	v7 =	vimm.s32 $0xFEDCBA98;
	s14 =	simm.s32 $0xC80;
	s15 =	simm.s32 $0x1480;
	vm0 =	vmmov $0xffff;
	s16 =	simm.s32 $0x1880  }
0x7: {  	s17 =	simm.s32 $0x2080;
	s18 =	simm.s32 $0x2480;
	vm1 =	vmmov $0xff;
	s19 =	simm.s32 $0x2C80;
	v5 =	vcombine.low v1, v0;
	v1 =	vimm.s32 $0x54761032  }
0x8: {  	s20 =	simm.s32 $0x3080;
	s21 =	simm.s32 $0x6080;
	s22 =	simm.s32 $0x6200;
	v0 =	vunpack.c.l.s4.s8 v4;
	v4 =	vimm.s32 $0xEFCDAB89;
	v1 =	vunpack.c.l.s4.s8 v1  }
0x9: {  	s23 =	simm.s32 $0x1;
	s24 =	simm.s32 $0x0;
	s4 =	sand.u32 $0x1, s3;
	v6 =	vunpack.c.l.s4.s8 v6;
	v7 =	vunpack.c.l.s4.s8 v7;
	v4 =	vunpack.c.l.s4.s8 v4  }
0xa: {  	s5 =	sshll.u32 s5, $0x3;
	v3 =	vunpack.c.l.s4.s8 v3;
	s6 =	sshll.u32 s4, $0x2;
	s4 =	ssub.s32 $0x2, s4;
	v0 =	vunpack.c.0.s8.s32 v0;
	v1 =	vunpack.c.0.s8.s32 v1  }
0xb: {  	s6 =	sor.u32 s6, s5;
	s5 =	simm.s32 $0x0;
	s31 =	sshrl.u32 s4, $0x1;
	v6 =	vunpack.c.0.s8.s32 v6;
	v7 =	vunpack.c.0.s8.s32 v7;
	v4 =	vunpack.c.0.s8.s32 v4  }
0xc: {  	v3 =	vunpack.c.0.s8.s32 v3;
	s7 =	sand.u32 $0x3C, s6;
	[smem:$0x7FF] =	sst s5;
	s10 =	smul.u32 $0x180, s6;
	v8 =	vcombine.low v1, v0;
	v0 =	vand.u32 $0x7, v2  }
0xd: {  	s1 =	sadd.s32 s6, s1;
	s4 =	ssub.s32 s4, s31;
	s8 =	smul.u32 $0x180, s7;
	v6 =	vcombine.low v6, v4;
	v1 =	vshrl.u32 v2, $0x3;
	v4 =	vand.u32 $0xF, v7  }
0xe: {  	_ =	strace $0x80000047;
	s6 =	sadd.s32 $0x400, s1;
	s7 =	sadd.s32 $0x100, s0;
	v2 =	vor.u32 $0x8, v2;
	v1 =	vmul.u32 $0x8, v1;
	v3 =	vcombine.low v4, v3  }
0xf: {  	s9 =	sadd.s32 s9, s10;
	s10 =	smax.u32 s4, $0x1;
	s8 =	sadd.s32 s2, s8;
	v4 =	vand.u32 $0xF, v5;
	v5 =	vand.u32 $0xF, v8;
	v6 =	vand.u32 $0xF, v6  }
.LBB2_1:
0x10: {  	[tilespmem:s5], [sflag:$0x2] =	stream.linear.gather [hbm4b:s6+s5], $0x20, $0x38;
	[tilespmem:$0x6380] =	vst v63  }
0x11: {  	_ =	swait.ge [sflag:s11], $0x20  }
0x12: {  	[sflag:s11] =	ssyncset.done $0x0  }
0x13: {  	[sflag:s11] =	ssyncadd.s32 $0xFFFFFFE0  }
0x14: {  	v7 =	vld [tilespmem:$0x0];
	_ =	sdelay $0x4  }
0x15: {  	v8 =	vshrl.u32 v7, $0x3  }
0x16: {  	v8 =	vmul.u32 $0x18, v8  }
0x17: {  	v7 =	vand.u32 $0x7, v7  }
0x18: {  	v7 =	vor.u32 v7, v8  }
0x19: {  	v8 =	vperm.xlane v7, v0;
	_ =	sdelay $0x1  }
0x1a: {  	v8 =	vadd.s32 v1, v8;
	_ =	sdelay $0x1  }
0x1b: {  	v7 =	vperm.xlane v7, v2;
	_ =	sdelay $0x1  }
0x1c: {  	v7 =	vadd.s32 v1, v7  }
0x1d: {  	[tilespmem:s12], [sflag:$0x1] =	stream.indirect_vreg.gather [hbm4b:s0+s5], $0x80, v8, vm0, $0xb8;
	[tilespmem:$0x6380] =	vst v63  }
0x1e: {  	_ = 	snop  }
0x1f: {  	[tilespmem:s13], [sflag:$0x1] =	stream.indirect_vreg.gather [hbm4b:s7+s5], $0x80, v8, vm1, $0xb8;
	[tilespmem:$0x6380] =	vst v63  }
0x20: {  	_ = 	snop  }
0x21: {  	[tilespmem:s14], [sflag:$0x1] =	stream.indirect_vreg.gather [hbm4b:s0+s5], $0x80, v7, vm0, $0xb8;
	[tilespmem:$0x6380] =	vst v63  }
0x22: {  	_ = 	snop  }
0x23: {  	[tilespmem:s15], [sflag:$0x1] =	stream.indirect_vreg.gather [hbm4b:s7+s5], $0x80, v7, vm1, $0xb8;
	[tilespmem:$0x6380] =	vst v63  }
0x24: {  	v7 =	vld [tilespmem:$0x10];
	_ =	sdelay $0x4  }
0x25: {  	v8 =	vshrl.u32 v7, $0x3  }
0x26: {  	v8 =	vmul.u32 $0x18, v8  }
0x27: {  	v7 =	vand.u32 $0x7, v7  }
0x28: {  	v7 =	vor.u32 v7, v8  }
0x29: {  	v8 =	vperm.xlane v7, v0;
	_ =	sdelay $0x1  }
0x2a: {  	v8 =	vadd.s32 v1, v8;
	_ =	sdelay $0x1  }
0x2b: {  	v7 =	vperm.xlane v7, v2;
	_ =	sdelay $0x1  }
0x2c: {  	v7 =	vadd.s32 v1, v7  }
0x2d: {  	[tilespmem:s16], [sflag:$0x1] =	stream.indirect_vreg.gather [hbm4b:s0+s5], $0x80, v8, vm0, $0xb8;
	[tilespmem:$0x6380] =	vst v63  }
0x2e: {  	_ = 	snop  }
0x2f: {  	[tilespmem:s17], [sflag:$0x1] =	stream.indirect_vreg.gather [hbm4b:s7+s5], $0x80, v8, vm1, $0xb8;
	[tilespmem:$0x6380] =	vst v63  }
0x30: {  	_ = 	snop  }
0x31: {  	[tilespmem:s18], [sflag:$0x1] =	stream.indirect_vreg.gather [hbm4b:s0+s5], $0x80, v7, vm0, $0xb8;
	[tilespmem:$0x6380] =	vst v63  }
0x32: {  	_ = 	snop  }
0x33: {  	[tilespmem:s19], [sflag:$0x1] =	stream.indirect_vreg.gather [hbm4b:s7+s5], $0x80, v7, vm1, $0xb8;
	[tilespmem:$0x6380] =	vst v63  }
0x34: {  	_ = 	snop  }
0x35: {  	[tilespmem:s20], [sflag:$0x2] =	stream.linear.gather [hbm4b:s8+s5], $0x3000, $0x38;
	[tilespmem:$0x6380] =	vst v63  }
0x36: {  	_ =	swait.ge [sflag:s11], $0x3000  }
0x37: {  	[sflag:s11] =	ssyncset.done $0x0  }
0x38: {  	[sflag:s11] =	ssyncadd.s32 $0xFFFFD000  }
0x39: {  	s1 =	rddreg [dreg:$0x3]  }
0x3a: {  	[tilespmem:s21], [sflag:$0x2] =	stream.linear.gather [hbm4b:s1+s5], $0x180, $0x38;
	[tilespmem:$0x6380] =	vst v63  }
0x3b: {  	_ =	swait.ge [sflag:s11], $0x180  }
0x3c: {  	[sflag:s11] =	ssyncset.done $0x0  }
0x3d: {  	[sflag:s11] =	ssyncadd.s32 $0xFFFFFE80  }
0x3e: {  	s31 =	rddreg [dreg:$0x4]  }
0x3f: {  	[tilespmem:s22], [sflag:$0x2] =	stream.linear.gather [hbm4b:s31+s5], $0x180, $0x38;
	[tilespmem:$0x6380] =	vst v63  }
0x40: {  	_ =	swait.ge [sflag:s11], $0x180  }
0x41: {  	[sflag:s11] =	ssyncset.done $0x0  }
0x42: {  	[sflag:s11] =	ssyncadd.s32 $0xFFFFFE80  }
0x43: {  	_ =	swait.ge [sflag:s23], $0x3000  }
0x44: {  	[sflag:s23] =	ssyncset.done $0x0  }
0x45: {  	s25 =	simm.s32 $0x0;
	[sflag:s23] =	ssyncadd.s32 $0xFFFFD000  }
.LBB2_2:
0x46: {  	s28 =	sshrl.u32 s25, $0x3  }
0x47: {  	s2 =	sshll.u32 s25, $0x7;
	s1 =	smul.u32 $0xC00, s28  }
0x48: {  	s3 =	simm.s32 $0x0;
	s26 =	sand.u32 $0x380, s2  }
0x49: {  	s4 =	sand.u32 $0xC00, s3;
	s29 =	sor.u32 s26, s1  }
0x4a: {  	s2 =	sand.u32 $0x70, s3;
	s1 =	sadd.s32 s29, s4  }
0x4b: {  	s4 =	sor.u32 s2, s1  }
0x4c: {  	v9 =	vld [tilespmem:s4+$0x3080]  }
0x4d: {  	v10 =	vld [tilespmem:s4+$0x80];
	_ =	sdelay $0x2  }
0x4e: {  	v7 =	vimm.f32 $0.0e+00;
	s31 =	simm.s32 $0x20;
	s30 =	simm.s32 $0x80;
	v8 =	vimm.f32 $0.0e+00;
	s1 =	simm.s32 $0x10  }
.LBB2_3:
0x4f: {  	p0 =	sne.s32 s31, $0x170;
	s2 =	sand.u32 $0xC00, s30  }
0x50: {  	s3 =	sand.u32 $0x70, s1;
	s1 =	smov.u32 s31;
	s2 =	sadd.s32 s29, s2;
	v10 =	vadd.f32 v9, v10  }
0x51: {  	s2 =	sor.u32 s3, s2  }
.Ltmp0:
0x52: {  	v9 =	vld [tilespmem:s2+$0x3080];
	[tilespmem:s4+$0x80] =	vst v10;
	v7 =	vadd.f32 v10, v7;
	v11 =	vmul.f32 v10, v10;
	s4 =	smov.u32 s2;
	(pc) =	sbr.rel @p0 .LBB2_3-.Ltmp0, $3  }
0x53: {  	v10 =	vld [tilespmem:s4+$0x80]  }
0x54: {  	v8 =	vadd.f32 v11, v8;
	_ =	sdelay $0x1  }
0x55: {  	s31 =	sadd.s32 $0x10, s31;
	s30 =	sadd.s32 $0x80, s30  }
0x56: {  	s2 =	sand.u32 $0xC00, s30  }
0x57: {  	s1 =	sand.u32 $0x70, s1;
	s2 =	sadd.s32 s29, s2;
	v9 =	vadd.f32 v9, v10  }
0x58: {  	s1 =	sor.u32 s1, s2  }
0x59: {  	v10 =	vld [tilespmem:s1+$0x3080];
	[tilespmem:s4+$0x80] =	vst v9  }
0x5a: {  	v11 =	vld [tilespmem:s1+$0x80];
	_ =	sdelay $0x4  }
0x5b: {  	v7 =	vadd.f32 v9, v7;
	v9 =	vmul.f32 v9, v9;
	v10 =	vadd.f32 v10, v11;
	_ =	sdelay $0x1  }
0x5c: {  	v8 =	vadd.f32 v9, v8;
	v7 =	vadd.f32 v10, v7;
	v9 =	vmul.f32 v10, v10;
	_ =	sdelay $0x1  }
0x5d: {  	v8 =	vadd.f32 v9, v8;
	v9 =	vperm.xlane v7, v3;
	_ =	sdelay $0x1  }
0x5e: {  	v7 =	vadd.f32 v9, v7;
	v9 =	vperm.xlane v8, v3;
	_ =	sdelay $0x1  }
0x5f: {  	v11 =	vperm.xlane v7, v4;
	v8 =	vadd.f32 v9, v8;
	_ =	sdelay $0x1  }
0x60: {  	v7 =	vadd.f32 v11, v7;
	v9 =	vperm.xlane v8, v4;
	_ =	sdelay $0x1  }
0x61: {  	v11 =	vperm.xlane v7, v5;
	v8 =	vadd.f32 v9, v8;
	_ =	sdelay $0x1  }
0x62: {  	v7 =	vadd.f32 v11, v7;
	v9 =	vperm.xlane v8, v5;
	_ =	sdelay $0x1  }
0x63: {  	v11 =	vperm.xlane v7, v6;
	v8 =	vadd.f32 v9, v8;
	_ =	sdelay $0x1  }
0x64: {  	v7 =	vadd.f32 v11, v7;
	v9 =	vperm.xlane v8, v6;
	_ =	sdelay $0x1  }
0x65: {  	v7 =	vmul.f32 $2.604166740e-03, v7;
	v8 =	vadd.f32 v9, v8;
	_ =	sdelay $0x1  }
0x66: {  	v8 =	vmul.f32 $2.604166740e-03, v8;
	v9 =	vmul.f32 v7, v7;
	_ =	sdelay $0x1  }
0x67: {  	v8 =	vsub.f32 v8, v9;
	_ =	sdelay $0x1  }
0x68: {  	v8 =	vadd.f32 $9.999999740e-06, v8;
	_ =	sdelay $0x1  }
0x69: {  	v9 =	vshra.s32 v8, $0x1;
	v8 =	vmul.f32 $5.000000000e-01, v8  }
0x6a: {  	v9 =	vsub.s32 $0x5F3759DF, v9  }
0x6b: {  	v11 =	vmul.f32 v9, v8;
	_ =	sdelay $0x1  }
0x6c: {  	v11 =	vmul.f32 v9, v11;
	_ =	sdelay $0x1  }
0x6d: {  	v11 =	vsub.f32 $1.500000000e+00, v11;
	_ =	sdelay $0x1  }
0x6e: {  	v9 =	vmul.f32 v9, v11;
	_ =	sdelay $0x1  }
0x6f: {  	v11 =	vmul.f32 v9, v8;
	_ =	sdelay $0x1  }
0x70: {  	v11 =	vmul.f32 v11, v9;
	_ =	sdelay $0x1  }
0x71: {  	v11 =	vsub.f32 $1.500000000e+00, v11;
	_ =	sdelay $0x1  }
0x72: {  	v9 =	vmul.f32 v11, v9;
	_ =	sdelay $0x1  }
0x73: {  	v11 =	vmul.f32 v9, v8;
	_ =	sdelay $0x1  }
0x74: {  	s3 =	smul.u32 $0x3000, s28;
	v11 =	vmul.f32 v11, v9;
	_ =	sdelay $0x1  }
0x75: {  	s2 =	sshra.s32 s3, $0x2;
	s3 =	simm.s32 $0x0;
	v11 =	vsub.f32 $1.500000000e+00, v11  }
0x76: {  	s2 =	sor.u32 s26, s2;
	s4 =	sand.u32 $0x3000, s3  }
0x77: {  	s26 =	sadd.s32 $0x80, s2;
	s4 =	sshrl.u32 s4, $0x2;
	v9 =	vmul.f32 v11, v9  }
0x78: {  	s3 =	sand.u32 $0x70, s3;
	s2 =	sadd.s32 s4, s26  }
0x79: {  	s28 =	sadd.s32 s3, s2;
	[tilespmem:s1+$0x80] =	vst v10;
	v8 =	vmul.f32 v9, v8  }
0x7a: {  	v10 =	vld [tilespmem:s28+$0x0]  }
0x7b: {  	v8 =	vmul.f32 v8, v9;
	_ =	sdelay $0x1  }
0x7c: {  	v8 =	vsub.f32 $1.500000000e+00, v8  }
0x7d: {  	s29 =	simm.s32 $0x6080  }
0x7e: {  	v11 =	vld [tilespmem:s29+$0x0];
	v8 =	vmul.f32 v8, v9;
	v9 =	vsub.f32 v10, v7  }
0x7f: {  	s30 =	simm.s32 $0x6200  }
0x80: {  	v10 =	vmul.f32 v9, v8;
	v9 =	vld [tilespmem:s30+$0x0];
	_ =	sdelay $0x2  }
0x81: {  	s4 =	simm.s32 $0x200;
	v10 =	vmul.f32 v10, v11  }
0x82: {  	s31 =	simm.s32 $0x10;
	s2 =	sand.u32 $0x3000, s4;
	s1 =	simm.s32 $0x20  }
.LBB2_5:
0x83: {  	p0 =	sne.s32 s1, $0x170;
	s2 =	sshrl.u32 s2, $0x2;
	v9 =	vadd.f32 v10, v9  }
0x84: {  	s3 =	sand.u32 $0x70, s31;
	s31 =	smov.u32 s1;
	s2 =	sadd.s32 s2, s26  }
0x85: {  	[tilespmem:s28+$0x0] =	vst v9;
	s28 =	sadd.s32 s3, s2  }
0x86: {  	v9 =	vld [tilespmem:s28+$0x0];
	_ =	sdelay $0x2  }
0x87: {  	s29 =	sadd.s32 $0x10, s29  }
0x88: {  	v10 =	vld [tilespmem:s29+$0x0]  }
0x89: {  	s30 =	sadd.s32 $0x10, s30;
	v11 =	vsub.f32 v9, v7  }
.Ltmp1:
0x8a: {  	v9 =	vld [tilespmem:s30+$0x0];
	(pc) =	sbr.rel @p0 .LBB2_5-.Ltmp1, $3  }
0x8b: {  	v11 =	vmul.f32 v11, v8;
	_ =	sdelay $0x1  }
0x8c: {  	s4 =	sadd.s32 $0x200, s4;
	v10 =	vmul.f32 v11, v10  }
0x8d: {  	s1 =	sadd.s32 $0x10, s1;
	s2 =	sand.u32 $0x3000, s4  }
0x8e: {  	s1 =	sshrl.u32 s2, $0x2;
	v9 =	vadd.f32 v10, v9  }
0x8f: {  	s4 =	sand.u32 $0x70, s31;
	s1 =	sadd.s32 s1, s26  }
0x90: {  	s1 =	sadd.s32 s4, s1;
	[tilespmem:s28+$0x0] =	vst v9  }
0x91: {  	v9 =	vld [tilespmem:s1+$0x0];
	_ =	sdelay $0x2  }
0x92: {  	s29 =	sadd.s32 $0x10, s29  }
0x93: {  	v62 =	vld [tilespmem:s29+$0x0]  }
0x94: {  	s31 =	sadd.s32 $0x10, s30;
	v7 =	vsub.f32 v9, v7  }
0x95: {  	v63 =	vld [tilespmem:s31+$0x0]  }
0x96: {  	s25 =	sadd.s32 $0x1, s25;
	v7 =	vmul.f32 v7, v8  }
0x97: {  	p0 =	sne.s32 s25, $0x20  }
.Ltmp2:
0x98: {  	v7 =	vmul.f32 v7, v62;
	(pc) =	sbr.rel @p0 .LBB2_2-.Ltmp2, $3  }
0x99: {  	_ = 	snop  }
0x9a: {  	v7 =	vadd.f32 v7, v63;
	_ =	sdelay $0x1  }
0x9b: {  	[tilespmem:s1+$0x0] =	vst v7  }
0x9c: {  	s24 =	sadd.s32 $0x1, s24  }
0x9d: {  	p0 =	sne.s32 s24, s10  }
.Ltmp3:
0x9e: {  	_ = 	snop;
	(pc) =	sbr.rel @p0 .LBB2_1-.Ltmp3, $4  }
0x9f: {  	[hbm4b:s9+s5] =	stream.linear.scatter [tilespmem:s12], [sflag:$0x2], $0x3000, $0x38;
	[tilespmem:$0x6380] =	vst v63  }
0xa0: {  	_ =	swait.ge [sflag:s11], $0x3000  }
0xa1: {  	[sflag:s11] =	ssyncset.done $0x0  }
0xa2: {  	[sflag:s11] =	ssyncadd.s32 $0xFFFFD000  }
0xa3: {  	_ =	sfence.sel $0x180000  }
0xa4: {  	[bflag:$0x0] =	sbarrier.arrive $0xFFFF  }
0xa5: {  	_ =	strace $0x90000047  }
0xa6: {  	s0 =	stileid.u32;
	[bflag:$0x2] =	sbarrier.arrive $0xFFFF  }
0xa7: {  	p0 =	sne.s32 s0, $0x0;
	s0 =	rddreg [dreg:$0x6]  }
0xa8: {  	s0 =	sadd.s32 @!p0 $0x100000, s0  }
0xa9: {  	[sflag:s0] =	ssyncadd.tile.s32 @!p0 $0x1;
	_ =	shalt  }
.Lfunc_end2:
_tile_overlayer_lowered:
.L_overlay_start_2:
0xaa: {  	(tag) =	ssettag $0x2  }
0xab: {  	s0 =	rddreg [dreg:$0x0];
	s2 =	stileid.u32  }
0xac: {  	s1 =	rddreg [dreg:$0x1];
	p0 =	sne.s32 s2, $0x0  }
0xad: {  	s3 =	rddreg [dreg:$0x2];
	[bflag:$0x3] =	sbarrier.arrive $0xFFFF;
	s2 =	simm.s32 @!p0 $0x1C02  }
0xae: {  	[timem:s3], [sflag:s2] =	dma.local @!p0 [hbm:s0], s1  }
0xaf: {  	s0 =	simm.s32 @!p0 $0x2  }
0xb0: {  	_ =	swait.ge @!p0 [sflag:s0], s1  }
0xb1: {  	s1 =	ssub.s32 @!p0 $0x0, s1;
	[sflag:s0] =	ssyncset.done @!p0 $0x0  }
0xb2: {  	[sflag:s0] =	ssyncadd.s32 @!p0 s1  }
0xb3: {  	[bflag:$0x3] =	sbarrier.arrive $0xFFFF  }
0xb4: {  	_ =	shalt  }

</sc_bundles>
